<compile_context>
chip_gen: v7x
topology: tpu7x:2x2x1
jax: 0.10.2.dev20260603
libtpu: 0.0.44.dev20260713+nightly
codegen_flags: <defaults>
</compile_context>

<pallas_src>
import functools

import jax
import jax.numpy as jnp
from jax import lax
from jax.experimental import pallas as pl
from jax.experimental.pallas import tpu as pltpu
from jax.experimental.pallas import tpu_sc as plsc

N = 10000
E = 320000
D = 128
L = 128
DR = 64
T = 20
S = 4
MPT = 500

NC = 2
NS = 16
NW = NC * NS
EPW = E // NW
C = 80
NCHUNK = EPW // C
RPS = 624
REM = N - NS * RPS


def _enc_body(x_ref, y_ref, wx_ref, wy_ref, be_ref, wms_ref, wmd_ref, bm_ref,
              h_ref, a_ref, b_ref):
    h = jnp.dot(x_ref[...], wx_ref[...], preferred_element_type=jnp.float32)
    h += jnp.dot(y_ref[...], wy_ref[...], preferred_element_type=jnp.float32)
    h = jnp.maximum(h + be_ref[...], 0.0)
    h_ref[...] = h
    a_ref[...] = jnp.dot(h, wms_ref[...], preferred_element_type=jnp.float32)
    b_ref[...] = (jnp.dot(h, wmd_ref[...], preferred_element_type=jnp.float32)
                  + bm_ref[...])


def _edge_body(a_hbm, b_hbm, src_hbm, dst_hbm, zero_hbm, out_hbm,
               si0, si1, di0, di1, sc0, sc1, a0, a1, b0, b1, agg_sh,
               sem_i0, sem_i1, sem_a0, sem_a1, sem_b0, sem_b1):
    cid = lax.axis_index("c")
    sid = lax.axis_index("s")
    wid = sid * NC + cid
    pltpu.sync_copy(zero_hbm, agg_sh.at[pl.ds(sid * RPS, RPS)])

    @pl.when(sid == 0)
    def _zero_rem():
        pltpu.sync_copy(zero_hbm.at[pl.ds(0, REM)],
                        agg_sh.at[pl.ds(NS * RPS, REM)])

    plsc.subcore_barrier()

    base0 = wid * EPW
    sidx = (si0, si1)
    didx = (di0, di1)
    scat = (sc0, sc1)
    abufs = (a0, a1)
    bbufs = (b0, b1)
    sems_i = (sem_i0, sem_i1)
    sems_a = (sem_a0, sem_a1)
    sems_b = (sem_b0, sem_b1)

    def issue_idx(i, b):
        pltpu.async_copy(src_hbm.at[pl.ds(base0 + i * C, C)], sidx[b],
                         sems_i[b])
        pltpu.async_copy(dst_hbm.at[pl.ds(base0 + i * C, C)], didx[b],
                         sems_i[b])

    def wait_idx(i, b):
        pltpu.make_async_copy(src_hbm.at[pl.ds(base0 + i * C, C)], sidx[b],
                              sems_i[b]).wait()
        pltpu.make_async_copy(dst_hbm.at[pl.ds(base0 + i * C, C)], didx[b],
                              sems_i[b]).wait()

    def issue_rows(b):
        pltpu.async_copy(a_hbm.at[sidx[b]], abufs[b], sems_a[b])
        pltpu.async_copy(b_hbm.at[didx[b]], bbufs[b], sems_b[b])

    def wait_rows(b):
        pltpu.make_async_copy(a_hbm.at[sidx[b]], abufs[b], sems_a[b]).wait()
        pltpu.make_async_copy(b_hbm.at[didx[b]], bbufs[b], sems_b[b]).wait()

    issue_idx(0, 0)
    issue_idx(1, 1)
    wait_idx(0, 0)
    issue_rows(0)

    def step(i, b):
        wait_rows(b)
        for k in range(C // 16):
            sl = pl.ds(k * 16, 16)
            scat[b][sl] = didx[b][sl]

        @pl.when(i + 2 < NCHUNK)
        def _pf_idx():
            issue_idx(i + 2, b)

        @pl.when(i + 1 < NCHUNK)
        def _pf_rows():
            wait_idx(i + 1, 1 - b)
            issue_rows(1 - b)

        def row(jj, c2):
            for k in range(L // 16):
                sl = pl.ds(k * 16, 16)
                abufs[b][jj, sl] = jnp.maximum(
                    abufs[b][jj, sl] + bbufs[b][jj, sl], 0.0)
            return c2

        lax.fori_loop(0, C, row, 0)
        pltpu.sync_copy(abufs[b], agg_sh.at[scat[b]], add=True)

    def pairstep(j, carry):
        step(2 * j, 0)
        step(2 * j + 1, 1)
        return carry

    lax.fori_loop(0, NCHUNK // 2, pairstep, 0)
    step(NCHUNK - 1, 0)

    plsc.subcore_barrier()
    pltpu.sync_copy(agg_sh.at[pl.ds(sid * RPS, RPS)],
                    out_hbm.at[pl.ds(cid * N + sid * RPS, RPS)])

    @pl.when(sid == 0)
    def _copy_rem():
        pltpu.sync_copy(agg_sh.at[pl.ds(NS * RPS, REM)],
                        out_hbm.at[pl.ds(cid * N + NS * RPS, REM)])


_edge_kernel = functools.partial(
    pl.kernel,
    out_type=jax.ShapeDtypeStruct((2 * N, L), jnp.float32),
    mesh=plsc.VectorSubcoreMesh(core_axis_name="c", subcore_axis_name="s"),
    scratch_types=[
        pltpu.VMEM((C,), jnp.int32),
        pltpu.VMEM((C,), jnp.int32),
        pltpu.VMEM((C,), jnp.int32),
        pltpu.VMEM((C,), jnp.int32),
        pltpu.VMEM((C,), jnp.int32),
        pltpu.VMEM((C,), jnp.int32),
        pltpu.VMEM((C, L), jnp.float32),
        pltpu.VMEM((C, L), jnp.float32),
        pltpu.VMEM((C, L), jnp.float32),
        pltpu.VMEM((C, L), jnp.float32),
        pltpu.VMEM_SHARED((N, L), jnp.float32),
        pltpu.SemaphoreType.DMA,
        pltpu.SemaphoreType.DMA,
        pltpu.SemaphoreType.DMA,
        pltpu.SemaphoreType.DMA,
        pltpu.SemaphoreType.DMA,
        pltpu.SemaphoreType.DMA,
    ],
)(_edge_body)


def _dec_body(h_ref, g0_ref, g1_ref, wuh_ref, wua_ref, bu_ref, w1_ref, b1_ref,
              w2_ref, b2_ref, m3_ref, r_ref):
    agg = (g0_ref[...] + g1_ref[...]).reshape(MPT, L)
    h2 = jnp.dot(h_ref[...].reshape(MPT, L), wuh_ref[...],
                 preferred_element_type=jnp.float32)
    h2 += jnp.dot(agg, wua_ref[...], preferred_element_type=jnp.float32)
    h2 = jnp.maximum(h2 + bu_ref[...], 0.0)
    z = jnp.maximum(
        jnp.dot(h2, w1_ref[...], preferred_element_type=jnp.float32)
        + b1_ref[...], 0.0)
    rn = (jnp.dot(z, w2_ref[...], preferred_element_type=jnp.float32)
          + b2_ref[...])
    rt = jnp.sum(rn, axis=0, keepdims=True) * (1.0 / MPT)

    @pl.when(pl.program_id(0) == 0)
    def _init():
        r_ref[...] = jnp.zeros_like(r_ref)

    r_ref[...] += m3_ref[...].reshape(8, DR) * rt


def kernel(x, y, edge_index, subtask_index, W_enc, b_enc, W_msg, b_msg,
           W_upd, b_upd, W1, b1, W2, b2):
    src = edge_index[0].astype(jnp.int32)
    dst = edge_index[1].astype(jnp.int32)
    be = b_enc.reshape(1, L)
    bm = b_msg.reshape(1, L)
    bu = b_upd.reshape(1, L)
    b1r = b1.reshape(1, L)
    b2r = b2.reshape(1, DR)

    RB = 2000
    h, A, B = pl.pallas_call(
        _enc_body,
        grid=(N // RB,),
        in_specs=[
            pl.BlockSpec((RB, D), lambda i: (i, 0)),
            pl.BlockSpec((RB, 3), lambda i: (i, 0)),
            pl.BlockSpec((D, L), lambda i: (0, 0)),
            pl.BlockSpec((3, L), lambda i: (0, 0)),
            pl.BlockSpec((1, L), lambda i: (0, 0)),
            pl.BlockSpec((L, L), lambda i: (0, 0)),
            pl.BlockSpec((L, L), lambda i: (0, 0)),
            pl.BlockSpec((1, L), lambda i: (0, 0)),
        ],
        out_specs=[
            pl.BlockSpec((RB, L), lambda i: (i, 0)),
            pl.BlockSpec((RB, L), lambda i: (i, 0)),
            pl.BlockSpec((RB, L), lambda i: (i, 0)),
        ],
        out_shape=[
            jax.ShapeDtypeStruct((N, L), jnp.float32),
            jax.ShapeDtypeStruct((N, L), jnp.float32),
            jax.ShapeDtypeStruct((N, L), jnp.float32),
        ],
    )(x, y, W_enc[:D], W_enc[D:], be, W_msg[:L], W_msg[L:], bm)

    zero_blk = jnp.zeros((RPS, L), jnp.float32)
    agg2 = _edge_kernel(A, B, src, dst, zero_blk)
    agg2 = agg2.reshape(2 * T, MPT, L)

    onehot = (subtask_index[None, :] == jnp.arange(S, dtype=jnp.int32)[:, None])
    Mw = onehot.astype(jnp.float32)
    cnt = Mw.sum(axis=1, keepdims=True)
    Mw = Mw / jnp.maximum(cnt, 1.0)
    Mpad = jnp.zeros((8, T), jnp.float32).at[:S].set(Mw)
    m3 = jnp.broadcast_to(Mpad.T[:, :, None], (T, 8, DR))

    r8 = pl.pallas_call(
        _dec_body,
        grid=(T,),
        in_specs=[
            pl.BlockSpec((1, MPT, L), lambda t: (t, 0, 0)),
            pl.BlockSpec((1, MPT, L), lambda t: (t, 0, 0)),
            pl.BlockSpec((1, MPT, L), lambda t: (t + T, 0, 0)),
            pl.BlockSpec((L, L), lambda t: (0, 0)),
            pl.BlockSpec((L, L), lambda t: (0, 0)),
            pl.BlockSpec((1, L), lambda t: (0, 0)),
            pl.BlockSpec((L, L), lambda t: (0, 0)),
            pl.BlockSpec((1, L), lambda t: (0, 0)),
            pl.BlockSpec((L, DR), lambda t: (0, 0)),
            pl.BlockSpec((1, DR), lambda t: (0, 0)),
            pl.BlockSpec((1, 8, DR), lambda t: (t, 0, 0)),
        ],
        out_specs=pl.BlockSpec((8, DR), lambda t: (0, 0)),
        out_shape=jax.ShapeDtypeStruct((8, DR), jnp.float32),
    )(h.reshape(T, MPT, L), agg2, agg2, W_upd[:L], W_upd[L:], bu, W1, b1r,
      W2, b2r, m3)
    return r8[:S]

# --- scband reference (transcript-rebuilt; emitter-appended) ---
"""Pipeline reference for scband-cnpencoder-14955076125357 (READ-ONLY COPY).

The authoritative reference and input builder live on the scoring server;
editing this copy changes nothing except your own understanding.
"""

import jax, jax.numpy as jnp
import numpy as np

N = 10000      # total mesh nodes (T * MPT)
E = 320000     # edges
D = 128        # node feature dim
DY = 3         # y label dim
L = 128        # gnn latent dim
DR = 64        # d_r output dim
T = 20         # timesteps
S = 4          # subtasks
MPT = 500      # mesh nodes per timestep


def setup_inputs(seed: int = 0) -> dict:
    key = jax.random.key(seed)
    ks = jax.random.split(key, 16)
    x = jax.random.normal(ks[0], (N, D), dtype=jnp.float32)
    y = jax.random.normal(ks[1], (N, DY), dtype=jnp.float32)
    edge_index = jax.random.randint(ks[2], (2, E), 0, N)
    subtask_index = jnp.sort(jax.random.randint(ks[3], (T,), 0, S))
    s = 0.05
    W_enc = jax.random.normal(ks[4], (D + DY, L), dtype=jnp.float32) * s
    b_enc = jnp.zeros((L,), dtype=jnp.float32)
    W_msg = jax.random.normal(ks[5], (2 * L, L), dtype=jnp.float32) * s
    b_msg = jnp.zeros((L,), dtype=jnp.float32)
    W_upd = jax.random.normal(ks[6], (2 * L, L), dtype=jnp.float32) * s
    b_upd = jnp.zeros((L,), dtype=jnp.float32)
    W1 = jax.random.normal(ks[7], (L, L), dtype=jnp.float32) * s
    b1 = jnp.zeros((L,), dtype=jnp.float32)
    W2 = jax.random.normal(ks[8], (L, DR), dtype=jnp.float32) * s
    b2 = jnp.zeros((DR,), dtype=jnp.float32)
    return {"x": x, "y": y, "edge_index": edge_index, "subtask_index": subtask_index,
            "W_enc": W_enc, "b_enc": b_enc, "W_msg": W_msg, "b_msg": b_msg,
            "W_upd": W_upd, "b_upd": b_upd, "W1": W1, "b1": b1, "W2": W2, "b2": b2}


def reference(x, y, edge_index, subtask_index, W_enc, b_enc, W_msg, b_msg,
              W_upd, b_upd, W1, b1, W2, b2):
    # preprocess_context_batch: concat y labels into node features
    xin = jnp.concatenate([x, y], axis=1)
    # GNN (HMPN-style single message-passing step)
    h = jax.nn.relu(xin @ W_enc + b_enc)
    src = edge_index[0]
    dst = edge_index[1]
    m = jax.nn.relu(jnp.concatenate([h[src], h[dst]], axis=1) @ W_msg + b_msg)
    agg = jax.ops.segment_sum(m, dst, num_segments=N)
    h = jax.nn.relu(jnp.concatenate([h, agg], axis=1) @ W_upd + b_upd)
    # output layer: MLP (1 layer, relu) + Linear to d_r
    r_n = jax.nn.relu(h @ W1 + b1) @ W2 + b2
    # aggregate_r_n: mean over mesh nodes per timestep
    r_t = jnp.mean(r_n.reshape(T, MPT, DR), axis=1)
    # scatter-mean timesteps into subtasks
    sums = jax.ops.segment_sum(r_t, subtask_index, num_segments=S)
    counts = jax.ops.segment_sum(jnp.ones((T,), dtype=jnp.float32), subtask_index, num_segments=S)
    r = sums / jnp.maximum(counts, 1.0)[:, None]
    return r

if __name__ == "__main__":
    import jax
    _d = setup_inputs()
    print(jax.jit(kernel)(*tuple(_d.values())))

</pallas_src>

<mosaic_0001>
#map = affine_map<(d0, d1) -> (0, 0)>
#map1 = affine_map<(d0, d1) -> (0)>
module attributes {stable_mosaic.version = 14 : i64} {
  func.func @_edge_body(%arg0: i32, %arg1: i32, %arg2: memref<10000x128xf32, #tpu.memory_space<hbm>>, %arg3: memref<10000x128xf32, #tpu.memory_space<hbm>>, %arg4: memref<320000xi32, #tpu.memory_space<hbm>>, %arg5: memref<320000xi32, #tpu.memory_space<hbm>>, %arg6: memref<624x128xf32, #tpu.memory_space<hbm>>, %arg7: memref<20000x128xf32, #tpu.memory_space<hbm>>, %arg8: memref<80xi32, #tpu.memory_space<vmem>>, %arg9: memref<80xi32, #tpu.memory_space<vmem>>, %arg10: memref<80xi32, #tpu.memory_space<vmem>>, %arg11: memref<80xi32, #tpu.memory_space<vmem>>, %arg12: memref<80xi32, #tpu.memory_space<vmem>>, %arg13: memref<80xi32, #tpu.memory_space<vmem>>, %arg14: memref<80x128xf32, #tpu.memory_space<vmem>>, %arg15: memref<80x128xf32, #tpu.memory_space<vmem>>, %arg16: memref<80x128xf32, #tpu.memory_space<vmem>>, %arg17: memref<80x128xf32, #tpu.memory_space<vmem>>, %arg18: memref<10000x128xf32, #tpu.memory_space<vmem_shared>>, %arg19: memref<!tpu.dma_semaphore, #tpu.memory_space<semaphore_mem>>, %arg20: memref<!tpu.dma_semaphore, #tpu.memory_space<semaphore_mem>>, %arg21: memref<!tpu.dma_semaphore, #tpu.memory_space<semaphore_mem>>, %arg22: memref<!tpu.dma_semaphore, #tpu.memory_space<semaphore_mem>>, %arg23: memref<!tpu.dma_semaphore, #tpu.memory_space<semaphore_mem>>, %arg24: memref<!tpu.dma_semaphore, #tpu.memory_space<semaphore_mem>>) attributes {dimension_semantics = [#tpu.dimension_semantics<core_parallel>, #tpu.dimension_semantics<subcore_parallel>], iteration_bounds = array<i64: 2, 16>, scalar_prefetch = 0 : i64, scratch_operands = 17 : i64, tpu.core_type = #tpu.core_type<sc_vector_subcore>, window_params = [{transform_indices = #map}, {transform_indices = #map}, {transform_indices = #map1}, {transform_indices = #map1}, {transform_indices = #map}, {transform_indices = #map}]} {
    %mul3A = arith.constant 2 : i32
    %mul3A_0 = arith.muli %arg1, %mul3A : i32
    %add3A = arith.addi %mul3A_0, %arg0 : i32
    %mul3A_1 = arith.constant 624 : i32
    %mul3A_2 = arith.muli %arg1, %mul3A_1 : i32
    "tpu.region"() ({
      %run_scoped3A = tpu.sem_alloc : memref<!tpu.dma_semaphore, #tpu.memory_space<semaphore_mem>>
      %dma_start3A_98 = arith.constant 0 : i32
      %dma_start3A_99 = tpu.memref_slice %arg18[%mul3A_2, %dma_start3A_98] : memref<10000x128xf32, #tpu.memory_space<vmem_shared>> -> memref<624x128xf32, #tpu.memory_space<vmem_shared>>
      tpu.enqueue_dma source(%arg6 : memref<624x128xf32, #tpu.memory_space<hbm>>) target(%dma_start3A_99 : memref<624x128xf32, #tpu.memory_space<vmem_shared>>) target_semaphore(%run_scoped3A : memref<!tpu.dma_semaphore, #tpu.memory_space<semaphore_mem>>)
      %dma_wait3A_100 = arith.constant 0 : i32
      %dma_wait3A_101 = tpu.memref_slice %arg18[%mul3A_2, %dma_wait3A_100] : memref<10000x128xf32, #tpu.memory_space<vmem_shared>> -> memref<624x128xf32, #tpu.memory_space<vmem_shared>>
      tpu.wait_dma2 semaphore(%run_scoped3A : memref<!tpu.dma_semaphore, #tpu.memory_space<semaphore_mem>>) src(%arg6 : memref<624x128xf32, #tpu.memory_space<hbm>>) dst(%dma_wait3A_101 : memref<624x128xf32, #tpu.memory_space<vmem_shared>>)
      tpu.yield
    }) : () -> ()
    %eq3A = arith.constant 0 : i32
    %eq3A_3 = arith.cmpi eq, %arg1, %eq3A : i32
    %convert_element_type3A = arith.extui %eq3A_3 : i1 to i32
    %cond3A = arith.constant 0 : i32
    %cond3A_4 = arith.cmpi ne, %convert_element_type3A, %cond3A : i32
    scf.if %cond3A_4 {
      "tpu.region"() ({
        %run_scoped3A = tpu.sem_alloc : memref<!tpu.dma_semaphore, #tpu.memory_space<semaphore_mem>>
        %dma_start3A_98 = arith.constant 9984 : i32
        %dma_start3A_99 = arith.constant 0 : i32
        %dma_start3A_100 = tpu.memref_slice %arg18[%dma_start3A_98, %dma_start3A_99] : memref<10000x128xf32, #tpu.memory_space<vmem_shared>> -> memref<16x128xf32, #tpu.memory_space<vmem_shared>>
        %dma_start3A_101 = arith.constant 0 : i32
        %dma_start3A_102 = arith.constant 0 : i32
        %dma_start3A_103 = tpu.memref_slice %arg6[%dma_start3A_101, %dma_start3A_102] : memref<624x128xf32, #tpu.memory_space<hbm>> -> memref<16x128xf32, #tpu.memory_space<hbm>>
        tpu.enqueue_dma source(%dma_start3A_103 : memref<16x128xf32, #tpu.memory_space<hbm>>) target(%dma_start3A_100 : memref<16x128xf32, #tpu.memory_space<vmem_shared>>) target_semaphore(%run_scoped3A : memref<!tpu.dma_semaphore, #tpu.memory_space<semaphore_mem>>)
        %dma_wait3A_104 = arith.constant 9984 : i32
        %dma_wait3A_105 = arith.constant 0 : i32
        %dma_wait3A_106 = tpu.memref_slice %arg18[%dma_wait3A_104, %dma_wait3A_105] : memref<10000x128xf32, #tpu.memory_space<vmem_shared>> -> memref<16x128xf32, #tpu.memory_space<vmem_shared>>
        %dma_wait3A_107 = arith.constant 0 : i32
        %dma_wait3A_108 = arith.constant 0 : i32
        %dma_wait3A_109 = tpu.memref_slice %arg6[%dma_wait3A_107, %dma_wait3A_108] : memref<624x128xf32, #tpu.memory_space<hbm>> -> memref<16x128xf32, #tpu.memory_space<hbm>>
        tpu.wait_dma2 semaphore(%run_scoped3A : memref<!tpu.dma_semaphore, #tpu.memory_space<semaphore_mem>>) src(%dma_wait3A_109 : memref<16x128xf32, #tpu.memory_space<hbm>>) dst(%dma_wait3A_106 : memref<16x128xf32, #tpu.memory_space<vmem_shared>>)
        tpu.yield
      }) : () -> ()
    } else {
    }
    %barrier3A = arith.constant 0 : index
    tpu.barrier barrier_id(%barrier3A)
    %mul3A_5 = arith.constant 10000 : i32
    %mul3A_6 = arith.muli %add3A, %mul3A_5 : i32
    %add3A_7 = arith.constant 0 : i32
    %add3A_8 = arith.addi %mul3A_6, %add3A_7 : i32
    %dma_start3A = tpu.memref_slice %arg4[%add3A_8] : memref<320000xi32, #tpu.memory_space<hbm>> -> memref<80xi32, #tpu.memory_space<hbm>>
    %dma_start3A_9 = tpu.memref_slice %arg4[%add3A_8] : memref<320000xi32, #tpu.memory_space<hbm>> -> memref<80xi32, #tpu.memory_space<hbm>>
    tpu.enqueue_dma source(%dma_start3A_9 : memref<80xi32, #tpu.memory_space<hbm>>) target(%arg8 : memref<80xi32, #tpu.memory_space<vmem>>) target_semaphore(%arg19 : memref<!tpu.dma_semaphore, #tpu.memory_space<semaphore_mem>>)
    %add3A_10 = arith.constant 0 : i32
    %add3A_11 = arith.addi %mul3A_6, %add3A_10 : i32
    %dma_start3A_12 = tpu.memref_slice %arg5[%add3A_11] : memref<320000xi32, #tpu.memory_space<hbm>> -> memref<80xi32, #tpu.memory_space<hbm>>
    %dma_start3A_13 = tpu.memref_slice %arg5[%add3A_11] : memref<320000xi32, #tpu.memory_space<hbm>> -> memref<80xi32, #tpu.memory_space<hbm>>
    tpu.enqueue_dma source(%dma_start3A_13 : memref<80xi32, #tpu.memory_space<hbm>>) target(%arg10 : memref<80xi32, #tpu.memory_space<vmem>>) target_semaphore(%arg19 : memref<!tpu.dma_semaphore, #tpu.memory_space<semaphore_mem>>)
    %add3A_14 = arith.constant 80 : i32
    %add3A_15 = arith.addi %mul3A_6, %add3A_14 : i32
    %dma_start3A_16 = tpu.memref_slice %arg4[%add3A_15] : memref<320000xi32, #tpu.memory_space<hbm>> -> memref<80xi32, #tpu.memory_space<hbm>>
    %dma_start3A_17 = tpu.memref_slice %arg4[%add3A_15] : memref<320000xi32, #tpu.memory_space<hbm>> -> memref<80xi32, #tpu.memory_space<hbm>>
    tpu.enqueue_dma source(%dma_start3A_17 : memref<80xi32, #tpu.memory_space<hbm>>) target(%arg9 : memref<80xi32, #tpu.memory_space<vmem>>) target_semaphore(%arg20 : memref<!tpu.dma_semaphore, #tpu.memory_space<semaphore_mem>>)
    %add3A_18 = arith.constant 80 : i32
    %add3A_19 = arith.addi %mul3A_6, %add3A_18 : i32
    %dma_start3A_20 = tpu.memref_slice %arg5[%add3A_19] : memref<320000xi32, #tpu.memory_space<hbm>> -> memref<80xi32, #tpu.memory_space<hbm>>
    %dma_start3A_21 = tpu.memref_slice %arg5[%add3A_19] : memref<320000xi32, #tpu.memory_space<hbm>> -> memref<80xi32, #tpu.memory_space<hbm>>
    tpu.enqueue_dma source(%dma_start3A_21 : memref<80xi32, #tpu.memory_space<hbm>>) target(%arg11 : memref<80xi32, #tpu.memory_space<vmem>>) target_semaphore(%arg20 : memref<!tpu.dma_semaphore, #tpu.memory_space<semaphore_mem>>)
    %add3A_22 = arith.constant 0 : i32
    %add3A_23 = arith.addi %mul3A_6, %add3A_22 : i32
    %dma_wait3A = tpu.memref_slice %arg4[%add3A_23] : memref<320000xi32, #tpu.memory_space<hbm>> -> memref<80xi32, #tpu.memory_space<hbm>>
    %dma_wait3A_24 = tpu.memref_slice %arg4[%add3A_23] : memref<320000xi32, #tpu.memory_space<hbm>> -> memref<80xi32, #tpu.memory_space<hbm>>
    tpu.wait_dma2 semaphore(%arg19 : memref<!tpu.dma_semaphore, #tpu.memory_space<semaphore_mem>>) src(%dma_wait3A_24 : memref<80xi32, #tpu.memory_space<hbm>>) dst(%arg8 : memref<80xi32, #tpu.memory_space<vmem>>)
    %add3A_25 = arith.constant 0 : i32
    %add3A_26 = arith.addi %mul3A_6, %add3A_25 : i32
    %dma_wait3A_27 = tpu.memref_slice %arg5[%add3A_26] : memref<320000xi32, #tpu.memory_space<hbm>> -> memref<80xi32, #tpu.memory_space<hbm>>
    %dma_wait3A_28 = tpu.memref_slice %arg5[%add3A_26] : memref<320000xi32, #tpu.memory_space<hbm>> -> memref<80xi32, #tpu.memory_space<hbm>>
    tpu.wait_dma2 semaphore(%arg19 : memref<!tpu.dma_semaphore, #tpu.memory_space<semaphore_mem>>) src(%dma_wait3A_28 : memref<80xi32, #tpu.memory_space<hbm>>) dst(%arg10 : memref<80xi32, #tpu.memory_space<vmem>>)
    %dma_start3A_29 = arith.constant 0 : i32
    %dma_start3A_30 = arith.constant 0 : i32
    %dma_start3A_31 = tpu.memref_slice %arg2[%dma_start3A_29, %dma_start3A_30] : memref<10000x128xf32, #tpu.memory_space<hbm>> -> memref<10000x128xf32, #tpu.memory_space<hbm>>
    tpu.enqueue_indirect_dma source(%dma_start3A_31 : memref<10000x128xf32, #tpu.memory_space<hbm>>) target(%arg14 : memref<80x128xf32, #tpu.memory_space<vmem>>) offsets(%arg8 : memref<80xi32, #tpu.memory_space<vmem>>) semaphore(%arg21 : memref<!tpu.dma_semaphore, #tpu.memory_space<semaphore_mem>>)
    %dma_start3A_32 = arith.constant 0 : i32
    %dma_start3A_33 = arith.constant 0 : i32
    %dma_start3A_34 = tpu.memref_slice %arg3[%dma_start3A_32, %dma_start3A_33] : memref<10000x128xf32, #tpu.memory_space<hbm>> -> memref<10000x128xf32, #tpu.memory_space<hbm>>
    tpu.enqueue_indirect_dma source(%dma_start3A_34 : memref<10000x128xf32, #tpu.memory_space<hbm>>) target(%arg16 : memref<80x128xf32, #tpu.memory_space<vmem>>) offsets(%arg10 : memref<80xi32, #tpu.memory_space<vmem>>) semaphore(%arg23 : memref<!tpu.dma_semaphore, #tpu.memory_space<semaphore_mem>>)
    %scan3A = arith.constant 0 : i32
    %scan3A_35 = arith.constant 0 : i32
    %scan3A_36 = arith.constant 62 : i32
    %scan3A_37 = arith.addi %scan3A_35, %scan3A_36 : i32
    %scan3A_38 = arith.constant 1 : i32
    scf.for %scan3A_98 = %scan3A_35 to %scan3A_37 step %scan3A_38  : i32 {
      %mul3A_99 = arith.constant 2 : i32
      %mul3A_100 = arith.muli %mul3A_99, %scan3A_98 : i32
      %dma_wait3A_101 = arith.constant 0 : i32
      %dma_wait3A_102 = arith.constant 0 : i32
      %dma_wait3A_103 = tpu.memref_slice %arg2[%dma_wait3A_101, %dma_wait3A_102] : memref<10000x128xf32, #tpu.memory_space<hbm>> -> memref<10000x128xf32, #tpu.memory_space<hbm>>
      tpu.wait_indirect_dma semaphore(%arg21 : memref<!tpu.dma_semaphore, #tpu.memory_space<semaphore_mem>>) src(%dma_wait3A_103 : memref<10000x128xf32, #tpu.memory_space<hbm>>) dst(%arg14 : memref<80x128xf32, #tpu.memory_space<vmem>>)
      %dma_wait3A_104 = arith.constant 0 : i32
      %dma_wait3A_105 = arith.constant 0 : i32
      %dma_wait3A_106 = tpu.memref_slice %arg3[%dma_wait3A_104, %dma_wait3A_105] : memref<10000x128xf32, #tpu.memory_space<hbm>> -> memref<10000x128xf32, #tpu.memory_space<hbm>>
      tpu.wait_indirect_dma semaphore(%arg23 : memref<!tpu.dma_semaphore, #tpu.memory_space<semaphore_mem>>) src(%dma_wait3A_106 : memref<10000x128xf32, #tpu.memory_space<hbm>>) dst(%arg16 : memref<80x128xf32, #tpu.memory_space<vmem>>)
      %get3A_107 = arith.constant 0 : index
      %get3A_108 = tpu.vector_load %arg10[%get3A_107] {strides = array<i32>} : memref<80xi32, #tpu.memory_space<vmem>>, vector<16xi32>,
      %get3A_109 = vector.shape_cast %get3A_108 : vector<16xi32> to vector<16xi32>
      %swap3A_110 = arith.constant 0 : index
      %swap3A_111 = tpu.vector_load %arg12[%swap3A_110] {strides = array<i32>} : memref<80xi32, #tpu.memory_space<vmem>>, vector<16xi32>,
      %swap3A_112 = vector.shape_cast %swap3A_111 : vector<16xi32> to vector<16xi32>
      %swap3A_113 = vector.shape_cast %get3A_109 : vector<16xi32> to vector<16xi32>
      tpu.vector_store %arg12[%swap3A_110], %swap3A_113 {strides = array<i32>} : memref<80xi32, #tpu.memory_space<vmem>>, vector<16xi32>,
      %get3A_114 = arith.constant 16 : index
      %get3A_115 = tpu.vector_load %arg10[%get3A_114] {strides = array<i32>} : memref<80xi32, #tpu.memory_space<vmem>>, vector<16xi32>,
      %get3A_116 = vector.shape_cast %get3A_115 : vector<16xi32> to vector<16xi32>
      %swap3A_117 = arith.constant 16 : index
      %swap3A_118 = tpu.vector_load %arg12[%swap3A_117] {strides = array<i32>} : memref<80xi32, #tpu.memory_space<vmem>>, vector<16xi32>,
      %swap3A_119 = vector.shape_cast %swap3A_118 : vector<16xi32> to vector<16xi32>
      %swap3A_120 = vector.shape_cast %get3A_116 : vector<16xi32> to vector<16xi32>
      tpu.vector_store %arg12[%swap3A_117], %swap3A_120 {strides = array<i32>} : memref<80xi32, #tpu.memory_space<vmem>>, vector<16xi32>,
      %get3A_121 = arith.constant 32 : index
      %get3A_122 = tpu.vector_load %arg10[%get3A_121] {strides = array<i32>} : memref<80xi32, #tpu.memory_space<vmem>>, vector<16xi32>,
      %get3A_123 = vector.shape_cast %get3A_122 : vector<16xi32> to vector<16xi32>
      %swap3A_124 = arith.constant 32 : index
      %swap3A_125 = tpu.vector_load %arg12[%swap3A_124] {strides = array<i32>} : memref<80xi32, #tpu.memory_space<vmem>>, vector<16xi32>,
      %swap3A_126 = vector.shape_cast %swap3A_125 : vector<16xi32> to vector<16xi32>
      %swap3A_127 = vector.shape_cast %get3A_123 : vector<16xi32> to vector<16xi32>
      tpu.vector_store %arg12[%swap3A_124], %swap3A_127 {strides = array<i32>} : memref<80xi32, #tpu.memory_space<vmem>>, vector<16xi32>,
      %get3A_128 = arith.constant 48 : index
      %get3A_129 = tpu.vector_load %arg10[%get3A_128] {strides = array<i32>} : memref<80xi32, #tpu.memory_space<vmem>>, vector<16xi32>,
      %get3A_130 = vector.shape_cast %get3A_129 : vector<16xi32> to vector<16xi32>
      %swap3A_131 = arith.constant 48 : index
      %swap3A_132 = tpu.vector_load %arg12[%swap3A_131] {strides = array<i32>} : memref<80xi32, #tpu.memory_space<vmem>>, vector<16xi32>,
      %swap3A_133 = vector.shape_cast %swap3A_132 : vector<16xi32> to vector<16xi32>
      %swap3A_134 = vector.shape_cast %get3A_130 : vector<16xi32> to vector<16xi32>
      tpu.vector_store %arg12[%swap3A_131], %swap3A_134 {strides = array<i32>} : memref<80xi32, #tpu.memory_space<vmem>>, vector<16xi32>,
      %get3A_135 = arith.constant 64 : index
      %get3A_136 = tpu.vector_load %arg10[%get3A_135] {strides = array<i32>} : memref<80xi32, #tpu.memory_space<vmem>>, vector<16xi32>,
      %get3A_137 = vector.shape_cast %get3A_136 : vector<16xi32> to vector<16xi32>
      %swap3A_138 = arith.constant 64 : index
      %swap3A_139 = tpu.vector_load %arg12[%swap3A_138] {strides = array<i32>} : memref<80xi32, #tpu.memory_space<vmem>>, vector<16xi32>,
      %swap3A_140 = vector.shape_cast %swap3A_139 : vector<16xi32> to vector<16xi32>
      %swap3A_141 = vector.shape_cast %get3A_137 : vector<16xi32> to vector<16xi32>
      tpu.vector_store %arg12[%swap3A_138], %swap3A_141 {strides = array<i32>} : memref<80xi32, #tpu.memory_space<vmem>>, vector<16xi32>,
      %add3A_142 = arith.constant 2 : i32
      %add3A_143 = arith.addi %mul3A_100, %add3A_142 : i32
      %lt3A = arith.constant 125 : i32
      %lt3A_144 = arith.cmpi slt, %add3A_143, %lt3A : i32
      %convert_element_type3A_145 = arith.extui %lt3A_144 : i1 to i32
      %cond3A_146 = arith.constant 0 : i32
      %cond3A_147 = arith.cmpi ne, %convert_element_type3A_145, %cond3A_146 : i32
      scf.if %cond3A_147 {
        %add3A_226 = arith.constant 2 : i32
        %add3A_227 = arith.addi %mul3A_100, %add3A_226 : i32
        %mul3A_228 = arith.constant 80 : i32
        %mul3A_229 = arith.muli %add3A_227, %mul3A_228 : i32
        %add3A_230 = arith.addi %mul3A_6, %mul3A_229 : i32
        %dma_start3A_231 = tpu.memref_slice %arg4[%add3A_230] : memref<320000xi32, #tpu.memory_space<hbm>> -> memref<80xi32, #tpu.memory_space<hbm>>
        %dma_start3A_232 = tpu.memref_slice %arg4[%add3A_230] : memref<320000xi32, #tpu.memory_space<hbm>> -> memref<80xi32, #tpu.memory_space<hbm>>
        tpu.enqueue_dma source(%dma_start3A_232 : memref<80xi32, #tpu.memory_space<hbm>>) target(%arg8 : memref<80xi32, #tpu.memory_space<vmem>>) target_semaphore(%arg19 : memref<!tpu.dma_semaphore, #tpu.memory_space<semaphore_mem>>)
        %mul3A_233 = arith.constant 80 : i32
        %mul3A_234 = arith.muli %add3A_227, %mul3A_233 : i32
        %add3A_235 = arith.addi %mul3A_6, %mul3A_234 : i32
        %dma_start3A_236 = tpu.memref_slice %arg5[%add3A_235] : memref<320000xi32, #tpu.memory_space<hbm>> -> memref<80xi32, #tpu.memory_space<hbm>>
        %dma_start3A_237 = tpu.memref_slice %arg5[%add3A_235] : memref<320000xi32, #tpu.memory_space<hbm>> -> memref<80xi32, #tpu.memory_space<hbm>>
        tpu.enqueue_dma source(%dma_start3A_237 : memref<80xi32, #tpu.memory_space<hbm>>) target(%arg10 : memref<80xi32, #tpu.memory_space<vmem>>) target_semaphore(%arg19 : memref<!tpu.dma_semaphore, #tpu.memory_space<semaphore_mem>>)
      } else {
      }
      %add3A_148 = arith.constant 1 : i32
      %add3A_149 = arith.addi %mul3A_100, %add3A_148 : i32
      %lt3A_150 = arith.constant 125 : i32
      %lt3A_151 = arith.cmpi slt, %add3A_149, %lt3A_150 : i32
      %convert_element_type3A_152 = arith.extui %lt3A_151 : i1 to i32
      %cond3A_153 = arith.constant 0 : i32
      %cond3A_154 = arith.cmpi ne, %convert_element_type3A_152, %cond3A_153 : i32
      scf.if %cond3A_154 {
        %add3A_226 = arith.constant 1 : i32
        %add3A_227 = arith.addi %mul3A_100, %add3A_226 : i32
        %mul3A_228 = arith.constant 80 : i32
        %mul3A_229 = arith.muli %add3A_227, %mul3A_228 : i32
        %add3A_230 = arith.addi %mul3A_6, %mul3A_229 : i32
        %dma_wait3A_231 = tpu.memref_slice %arg4[%add3A_230] : memref<320000xi32, #tpu.memory_space<hbm>> -> memref<80xi32, #tpu.memory_space<hbm>>
        %dma_wait3A_232 = tpu.memref_slice %arg4[%add3A_230] : memref<320000xi32, #tpu.memory_space<hbm>> -> memref<80xi32, #tpu.memory_space<hbm>>
        tpu.wait_dma2 semaphore(%arg20 : memref<!tpu.dma_semaphore, #tpu.memory_space<semaphore_mem>>) src(%dma_wait3A_232 : memref<80xi32, #tpu.memory_space<hbm>>) dst(%arg9 : memref<80xi32, #tpu.memory_space<vmem>>)
        %mul3A_233 = arith.constant 80 : i32
        %mul3A_234 = arith.muli %add3A_227, %mul3A_233 : i32
        %add3A_235 = arith.addi %mul3A_6, %mul3A_234 : i32
        %dma_wait3A_236 = tpu.memref_slice %arg5[%add3A_235] : memref<320000xi32, #tpu.memory_space<hbm>> -> memref<80xi32, #tpu.memory_space<hbm>>
        %dma_wait3A_237 = tpu.memref_slice %arg5[%add3A_235] : memref<320000xi32, #tpu.memory_space<hbm>> -> memref<80xi32, #tpu.memory_space<hbm>>
        tpu.wait_dma2 semaphore(%arg20 : memref<!tpu.dma_semaphore, #tpu.memory_space<semaphore_mem>>) src(%dma_wait3A_237 : memref<80xi32, #tpu.memory_space<hbm>>) dst(%arg11 : memref<80xi32, #tpu.memory_space<vmem>>)
        %dma_start3A_238 = arith.constant 0 : i32
        %dma_start3A_239 = arith.constant 0 : i32
        %dma_start3A_240 = tpu.memref_slice %arg2[%dma_start3A_238, %dma_start3A_239] : memref<10000x128xf32, #tpu.memory_space<hbm>> -> memref<10000x128xf32, #tpu.memory_space<hbm>>
        tpu.enqueue_indirect_dma source(%dma_start3A_240 : memref<10000x128xf32, #tpu.memory_space<hbm>>) target(%arg15 : memref<80x128xf32, #tpu.memory_space<vmem>>) offsets(%arg9 : memref<80xi32, #tpu.memory_space<vmem>>) semaphore(%arg22 : memref<!tpu.dma_semaphore, #tpu.memory_space<semaphore_mem>>)
        %dma_start3A_241 = arith.constant 0 : i32
        %dma_start3A_242 = arith.constant 0 : i32
        %dma_start3A_243 = tpu.memref_slice %arg3[%dma_start3A_241, %dma_start3A_242] : memref<10000x128xf32, #tpu.memory_space<hbm>> -> memref<10000x128xf32, #tpu.memory_space<hbm>>
        tpu.enqueue_indirect_dma source(%dma_start3A_243 : memref<10000x128xf32, #tpu.memory_space<hbm>>) target(%arg17 : memref<80x128xf32, #tpu.memory_space<vmem>>) offsets(%arg11 : memref<80xi32, #tpu.memory_space<vmem>>) semaphore(%arg24 : memref<!tpu.dma_semaphore, #tpu.memory_space<semaphore_mem>>)
      } else {
      }
      %scan3A_155 = arith.constant 0 : i32
      %scan3A_156 = arith.constant 0 : i32
      %scan3A_157 = arith.constant 80 : i32
      %scan3A_158 = arith.addi %scan3A_156, %scan3A_157 : i32
      %scan3A_159 = arith.constant 1 : i32
      scf.for %scan3A_226 = %scan3A_156 to %scan3A_158 step %scan3A_159  : i32 {
        %get3A_227 = arith.index_cast %scan3A_226 : i32 to index
        %get3A_228 = arith.constant 0 : index
        %get3A_229 = tpu.vector_load %arg14[%get3A_227, %get3A_228] {strides = array<i32>} : memref<80x128xf32, #tpu.memory_space<vmem>>, vector<1x16xf32>,
        %get3A_230 = vector.shape_cast %get3A_229 : vector<1x16xf32> to vector<16xf32>
        %get3A_231 = arith.index_cast %scan3A_226 : i32 to index
        %get3A_232 = arith.constant 0 : index
        %get3A_233 = tpu.vector_load %arg16[%get3A_231, %get3A_232] {strides = array<i32>} : memref<80x128xf32, #tpu.memory_space<vmem>>, vector<1x16xf32>,
        %get3A_234 = vector.shape_cast %get3A_233 : vector<1x16xf32> to vector<16xf32>
        %add3A_235 = arith.addf %get3A_230, %get3A_234 : vector<16xf32>
        %max3A = arith.constant 0.000000e+00 : f32
        %max3A_236 = vector.broadcast %max3A : f32 to vector<16xf32>
        %max3A_237 = arith.maximumf %add3A_235, %max3A_236 : vector<16xf32>
        %swap3A_238 = arith.index_cast %scan3A_226 : i32 to index
        %swap3A_239 = arith.constant 0 : index
        %swap3A_240 = tpu.vector_load %arg14[%swap3A_238, %swap3A_239] {strides = array<i32>} : memref<80x128xf32, #tpu.memory_space<vmem>>, vector<1x16xf32>,
        %swap3A_241 = vector.shape_cast %swap3A_240 : vector<1x16xf32> to vector<16xf32>
        %swap3A_242 = vector.shape_cast %max3A_237 : vector<16xf32> to vector<1x16xf32>
        tpu.vector_store %arg14[%swap3A_238, %swap3A_239], %swap3A_242 {strides = array<i32>} : memref<80x128xf32, #tpu.memory_space<vmem>>, vector<1x16xf32>,
        %get3A_243 = arith.index_cast %scan3A_226 : i32 to index
        %get3A_244 = arith.constant 16 : index
        %get3A_245 = tpu.vector_load %arg14[%get3A_243, %get3A_244] {strides = array<i32>} : memref<80x128xf32, #tpu.memory_space<vmem>>, vector<1x16xf32>,
        %get3A_246 = vector.shape_cast %get3A_245 : vector<1x16xf32> to vector<16xf32>
        %get3A_247 = arith.index_cast %scan3A_226 : i32 to index
        %get3A_248 = arith.constant 16 : index
        %get3A_249 = tpu.vector_load %arg16[%get3A_247, %get3A_248] {strides = array<i32>} : memref<80x128xf32, #tpu.memory_space<vmem>>, vector<1x16xf32>,
        %get3A_250 = vector.shape_cast %get3A_249 : vector<1x16xf32> to vector<16xf32>
        %add3A_251 = arith.addf %get3A_246, %get3A_250 : vector<16xf32>
        %max3A_252 = arith.constant 0.000000e+00 : f32
        %max3A_253 = vector.broadcast %max3A_252 : f32 to vector<16xf32>
        %max3A_254 = arith.maximumf %add3A_251, %max3A_253 : vector<16xf32>
        %swap3A_255 = arith.index_cast %scan3A_226 : i32 to index
        %swap3A_256 = arith.constant 16 : index
        %swap3A_257 = tpu.vector_load %arg14[%swap3A_255, %swap3A_256] {strides = array<i32>} : memref<80x128xf32, #tpu.memory_space<vmem>>, vector<1x16xf32>,
        %swap3A_258 = vector.shape_cast %swap3A_257 : vector<1x16xf32> to vector<16xf32>
        %swap3A_259 = vector.shape_cast %max3A_254 : vector<16xf32> to vector<1x16xf32>
        tpu.vector_store %arg14[%swap3A_255, %swap3A_256], %swap3A_259 {strides = array<i32>} : memref<80x128xf32, #tpu.memory_space<vmem>>, vector<1x16xf32>,
        %get3A_260 = arith.index_cast %scan3A_226 : i32 to index
        %get3A_261 = arith.constant 32 : index
        %get3A_262 = tpu.vector_load %arg14[%get3A_260, %get3A_261] {strides = array<i32>} : memref<80x128xf32, #tpu.memory_space<vmem>>, vector<1x16xf32>,
        %get3A_263 = vector.shape_cast %get3A_262 : vector<1x16xf32> to vector<16xf32>
        %get3A_264 = arith.index_cast %scan3A_226 : i32 to index
        %get3A_265 = arith.constant 32 : index
        %get3A_266 = tpu.vector_load %arg16[%get3A_264, %get3A_265] {strides = array<i32>} : memref<80x128xf32, #tpu.memory_space<vmem>>, vector<1x16xf32>,
        %get3A_267 = vector.shape_cast %get3A_266 : vector<1x16xf32> to vector<16xf32>
        %add3A_268 = arith.addf %get3A_263, %get3A_267 : vector<16xf32>
        %max3A_269 = arith.constant 0.000000e+00 : f32
        %max3A_270 = vector.broadcast %max3A_269 : f32 to vector<16xf32>
        %max3A_271 = arith.maximumf %add3A_268, %max3A_270 : vector<16xf32>
        %swap3A_272 = arith.index_cast %scan3A_226 : i32 to index
        %swap3A_273 = arith.constant 32 : index
        %swap3A_274 = tpu.vector_load %arg14[%swap3A_272, %swap3A_273] {strides = array<i32>} : memref<80x128xf32, #tpu.memory_space<vmem>>, vector<1x16xf32>,
        %swap3A_275 = vector.shape_cast %swap3A_274 : vector<1x16xf32> to vector<16xf32>
        %swap3A_276 = vector.shape_cast %max3A_271 : vector<16xf32> to vector<1x16xf32>
        tpu.vector_store %arg14[%swap3A_272, %swap3A_273], %swap3A_276 {strides = array<i32>} : memref<80x128xf32, #tpu.memory_space<vmem>>, vector<1x16xf32>,
        %get3A_277 = arith.index_cast %scan3A_226 : i32 to index
        %get3A_278 = arith.constant 48 : index
        %get3A_279 = tpu.vector_load %arg14[%get3A_277, %get3A_278] {strides = array<i32>} : memref<80x128xf32, #tpu.memory_space<vmem>>, vector<1x16xf32>,
        %get3A_280 = vector.shape_cast %get3A_279 : vector<1x16xf32> to vector<16xf32>
        %get3A_281 = arith.index_cast %scan3A_226 : i32 to index
        %get3A_282 = arith.constant 48 : index
        %get3A_283 = tpu.vector_load %arg16[%get3A_281, %get3A_282] {strides = array<i32>} : memref<80x128xf32, #tpu.memory_space<vmem>>, vector<1x16xf32>,
        %get3A_284 = vector.shape_cast %get3A_283 : vector<1x16xf32> to vector<16xf32>
        %add3A_285 = arith.addf %get3A_280, %get3A_284 : vector<16xf32>
        %max3A_286 = arith.constant 0.000000e+00 : f32
        %max3A_287 = vector.broadcast %max3A_286 : f32 to vector<16xf32>
        %max3A_288 = arith.maximumf %add3A_285, %max3A_287 : vector<16xf32>
        %swap3A_289 = arith.index_cast %scan3A_226 : i32 to index
        %swap3A_290 = arith.constant 48 : index
        %swap3A_291 = tpu.vector_load %arg14[%swap3A_289, %swap3A_290] {strides = array<i32>} : memref<80x128xf32, #tpu.memory_space<vmem>>, vector<1x16xf32>,
        %swap3A_292 = vector.shape_cast %swap3A_291 : vector<1x16xf32> to vector<16xf32>
        %swap3A_293 = vector.shape_cast %max3A_288 : vector<16xf32> to vector<1x16xf32>
        tpu.vector_store %arg14[%swap3A_289, %swap3A_290], %swap3A_293 {strides = array<i32>} : memref<80x128xf32, #tpu.memory_space<vmem>>, vector<1x16xf32>,
        %get3A_294 = arith.index_cast %scan3A_226 : i32 to index
        %get3A_295 = arith.constant 64 : index
        %get3A_296 = tpu.vector_load %arg14[%get3A_294, %get3A_295] {strides = array<i32>} : memref<80x128xf32, #tpu.memory_space<vmem>>, vector<1x16xf32>,
        %get3A_297 = vector.shape_cast %get3A_296 : vector<1x16xf32> to vector<16xf32>
        %get3A_298 = arith.index_cast %scan3A_226 : i32 to index
        %get3A_299 = arith.constant 64 : index
        %get3A_300 = tpu.vector_load %arg16[%get3A_298, %get3A_299] {strides = array<i32>} : memref<80x128xf32, #tpu.memory_space<vmem>>, vector<1x16xf32>,
        %get3A_301 = vector.shape_cast %get3A_300 : vector<1x16xf32> to vector<16xf32>
        %add3A_302 = arith.addf %get3A_297, %get3A_301 : vector<16xf32>
        %max3A_303 = arith.constant 0.000000e+00 : f32
        %max3A_304 = vector.broadcast %max3A_303 : f32 to vector<16xf32>
        %max3A_305 = arith.maximumf %add3A_302, %max3A_304 : vector<16xf32>
        %swap3A_306 = arith.index_cast %scan3A_226 : i32 to index
        %swap3A_307 = arith.constant 64 : index
        %swap3A_308 = tpu.vector_load %arg14[%swap3A_306, %swap3A_307] {strides = array<i32>} : memref<80x128xf32, #tpu.memory_space<vmem>>, vector<1x16xf32>,
        %swap3A_309 = vector.shape_cast %swap3A_308 : vector<1x16xf32> to vector<16xf32>
        %swap3A_310 = vector.shape_cast %max3A_305 : vector<16xf32> to vector<1x16xf32>
        tpu.vector_store %arg14[%swap3A_306, %swap3A_307], %swap3A_310 {strides = array<i32>} : memref<80x128xf32, #tpu.memory_space<vmem>>, vector<1x16xf32>,
        %get3A_311 = arith.index_cast %scan3A_226 : i32 to index
        %get3A_312 = arith.constant 80 : index
        %get3A_313 = tpu.vector_load %arg14[%get3A_311, %get3A_312] {strides = array<i32>} : memref<80x128xf32, #tpu.memory_space<vmem>>, vector<1x16xf32>,
        %get3A_314 = vector.shape_cast %get3A_313 : vector<1x16xf32> to vector<16xf32>
        %get3A_315 = arith.index_cast %scan3A_226 : i32 to index
        %get3A_316 = arith.constant 80 : index
        %get3A_317 = tpu.vector_load %arg16[%get3A_315, %get3A_316] {strides = array<i32>} : memref<80x128xf32, #tpu.memory_space<vmem>>, vector<1x16xf32>,
        %get3A_318 = vector.shape_cast %get3A_317 : vector<1x16xf32> to vector<16xf32>
        %add3A_319 = arith.addf %get3A_314, %get3A_318 : vector<16xf32>
        %max3A_320 = arith.constant 0.000000e+00 : f32
        %max3A_321 = vector.broadcast %max3A_320 : f32 to vector<16xf32>
        %max3A_322 = arith.maximumf %add3A_319, %max3A_321 : vector<16xf32>
        %swap3A_323 = arith.index_cast %scan3A_226 : i32 to index
        %swap3A_324 = arith.constant 80 : index
        %swap3A_325 = tpu.vector_load %arg14[%swap3A_323, %swap3A_324] {strides = array<i32>} : memref<80x128xf32, #tpu.memory_space<vmem>>, vector<1x16xf32>,
        %swap3A_326 = vector.shape_cast %swap3A_325 : vector<1x16xf32> to vector<16xf32>
        %swap3A_327 = vector.shape_cast %max3A_322 : vector<16xf32> to vector<1x16xf32>
        tpu.vector_store %arg14[%swap3A_323, %swap3A_324], %swap3A_327 {strides = array<i32>} : memref<80x128xf32, #tpu.memory_space<vmem>>, vector<1x16xf32>,
        %get3A_328 = arith.index_cast %scan3A_226 : i32 to index
        %get3A_329 = arith.constant 96 : index
        %get3A_330 = tpu.vector_load %arg14[%get3A_328, %get3A_329] {strides = array<i32>} : memref<80x128xf32, #tpu.memory_space<vmem>>, vector<1x16xf32>,
        %get3A_331 = vector.shape_cast %get3A_330 : vector<1x16xf32> to vector<16xf32>
        %get3A_332 = arith.index_cast %scan3A_226 : i32 to index
        %get3A_333 = arith.constant 96 : index
        %get3A_334 = tpu.vector_load %arg16[%get3A_332, %get3A_333] {strides = array<i32>} : memref<80x128xf32, #tpu.memory_space<vmem>>, vector<1x16xf32>,
        %get3A_335 = vector.shape_cast %get3A_334 : vector<1x16xf32> to vector<16xf32>
        %add3A_336 = arith.addf %get3A_331, %get3A_335 : vector<16xf32>
        %max3A_337 = arith.constant 0.000000e+00 : f32
        %max3A_338 = vector.broadcast %max3A_337 : f32 to vector<16xf32>
        %max3A_339 = arith.maximumf %add3A_336, %max3A_338 : vector<16xf32>
        %swap3A_340 = arith.index_cast %scan3A_226 : i32 to index
        %swap3A_341 = arith.constant 96 : index
        %swap3A_342 = tpu.vector_load %arg14[%swap3A_340, %swap3A_341] {strides = array<i32>} : memref<80x128xf32, #tpu.memory_space<vmem>>, vector<1x16xf32>,
        %swap3A_343 = vector.shape_cast %swap3A_342 : vector<1x16xf32> to vector<16xf32>
        %swap3A_344 = vector.shape_cast %max3A_339 : vector<16xf32> to vector<1x16xf32>
        tpu.vector_store %arg14[%swap3A_340, %swap3A_341], %swap3A_344 {strides = array<i32>} : memref<80x128xf32, #tpu.memory_space<vmem>>, vector<1x16xf32>,
        %get3A_345 = arith.index_cast %scan3A_226 : i32 to index
        %get3A_346 = arith.constant 112 : index
        %get3A_347 = tpu.vector_load %arg14[%get3A_345, %get3A_346] {strides = array<i32>} : memref<80x128xf32, #tpu.memory_space<vmem>>, vector<1x16xf32>,
        %get3A_348 = vector.shape_cast %get3A_347 : vector<1x16xf32> to vector<16xf32>
        %get3A_349 = arith.index_cast %scan3A_226 : i32 to index
        %get3A_350 = arith.constant 112 : index
        %get3A_351 = tpu.vector_load %arg16[%get3A_349, %get3A_350] {strides = array<i32>} : memref<80x128xf32, #tpu.memory_space<vmem>>, vector<1x16xf32>,
        %get3A_352 = vector.shape_cast %get3A_351 : vector<1x16xf32> to vector<16xf32>
        %add3A_353 = arith.addf %get3A_348, %get3A_352 : vector<16xf32>
        %max3A_354 = arith.constant 0.000000e+00 : f32
        %max3A_355 = vector.broadcast %max3A_354 : f32 to vector<16xf32>
        %max3A_356 = arith.maximumf %add3A_353, %max3A_355 : vector<16xf32>
        %swap3A_357 = arith.index_cast %scan3A_226 : i32 to index
        %swap3A_358 = arith.constant 112 : index
        %swap3A_359 = tpu.vector_load %arg14[%swap3A_357, %swap3A_358] {strides = array<i32>} : memref<80x128xf32, #tpu.memory_space<vmem>>, vector<1x16xf32>,
        %swap3A_360 = vector.shape_cast %swap3A_359 : vector<1x16xf32> to vector<16xf32>
        %swap3A_361 = vector.shape_cast %max3A_356 : vector<16xf32> to vector<1x16xf32>
        tpu.vector_store %arg14[%swap3A_357, %swap3A_358], %swap3A_361 {strides = array<i32>} : memref<80x128xf32, #tpu.memory_space<vmem>>, vector<1x16xf32>,
      }
      %scan3A_160 = arith.constant 80 : i32
      "tpu.region"() ({
        %run_scoped3A = tpu.sem_alloc : memref<!tpu.dma_semaphore, #tpu.memory_space<semaphore_mem>>
        %dma_start3A_226 = arith.constant 0 : i32
        %dma_start3A_227 = arith.constant 0 : i32
        %dma_start3A_228 = tpu.memref_slice %arg18[%dma_start3A_226, %dma_start3A_227] : memref<10000x128xf32, #tpu.memory_space<vmem_shared>> -> memref<10000x128xf32, #tpu.memory_space<vmem_shared>>
        tpu.enqueue_indirect_dma source(%arg14 : memref<80x128xf32, #tpu.memory_space<vmem>>) target(%dma_start3A_228 : memref<10000x128xf32, #tpu.memory_space<vmem_shared>>) offsets(%arg12 : memref<80xi32, #tpu.memory_space<vmem>>) semaphore(%run_scoped3A : memref<!tpu.dma_semaphore, #tpu.memory_space<semaphore_mem>>) {add = true}
        %dma_wait3A_229 = arith.constant 0 : i32
        %dma_wait3A_230 = arith.constant 0 : i32
        %dma_wait3A_231 = tpu.memref_slice %arg18[%dma_wait3A_229, %dma_wait3A_230] : memref<10000x128xf32, #tpu.memory_space<vmem_shared>> -> memref<10000x128xf32, #tpu.memory_space<vmem_shared>>
        tpu.wait_indirect_dma semaphore(%run_scoped3A : memref<!tpu.dma_semaphore, #tpu.memory_space<semaphore_mem>>) src(%arg14 : memref<80x128xf32, #tpu.memory_space<vmem>>) dst(%dma_wait3A_231 : memref<10000x128xf32, #tpu.memory_space<vmem_shared>>)
        tpu.yield
      }) : () -> ()
      %mul3A_161 = arith.constant 2 : i32
      %mul3A_162 = arith.muli %mul3A_161, %scan3A_98 : i32
      %add3A_163 = arith.constant 1 : i32
      %add3A_164 = arith.addi %mul3A_162, %add3A_163 : i32
      %dma_wait3A_165 = arith.constant 0 : i32
      %dma_wait3A_166 = arith.constant 0 : i32
      %dma_wait3A_167 = tpu.memref_slice %arg2[%dma_wait3A_165, %dma_wait3A_166] : memref<10000x128xf32, #tpu.memory_space<hbm>> -> memref<10000x128xf32, #tpu.memory_space<hbm>>
      tpu.wait_indirect_dma semaphore(%arg22 : memref<!tpu.dma_semaphore, #tpu.memory_space<semaphore_mem>>) src(%dma_wait3A_167 : memref<10000x128xf32, #tpu.memory_space<hbm>>) dst(%arg15 : memref<80x128xf32, #tpu.memory_space<vmem>>)
      %dma_wait3A_168 = arith.constant 0 : i32
      %dma_wait3A_169 = arith.constant 0 : i32
      %dma_wait3A_170 = tpu.memref_slice %arg3[%dma_wait3A_168, %dma_wait3A_169] : memref<10000x128xf32, #tpu.memory_space<hbm>> -> memref<10000x128xf32, #tpu.memory_space<hbm>>
      tpu.wait_indirect_dma semaphore(%arg24 : memref<!tpu.dma_semaphore, #tpu.memory_space<semaphore_mem>>) src(%dma_wait3A_170 : memref<10000x128xf32, #tpu.memory_space<hbm>>) dst(%arg17 : memref<80x128xf32, #tpu.memory_space<vmem>>)
      %get3A_171 = arith.constant 0 : index
      %get3A_172 = tpu.vector_load %arg11[%get3A_171] {strides = array<i32>} : memref<80xi32, #tpu.memory_space<vmem>>, vector<16xi32>,
      %get3A_173 = vector.shape_cast %get3A_172 : vector<16xi32> to vector<16xi32>
      %swap3A_174 = arith.constant 0 : index
      %swap3A_175 = tpu.vector_load %arg13[%swap3A_174] {strides = array<i32>} : memref<80xi32, #tpu.memory_space<vmem>>, vector<16xi32>,
      %swap3A_176 = vector.shape_cast %swap3A_175 : vector<16xi32> to vector<16xi32>
      %swap3A_177 = vector.shape_cast %get3A_173 : vector<16xi32> to vector<16xi32>
      tpu.vector_store %arg13[%swap3A_174], %swap3A_177 {strides = array<i32>} : memref<80xi32, #tpu.memory_space<vmem>>, vector<16xi32>,
      %get3A_178 = arith.constant 16 : index
      %get3A_179 = tpu.vector_load %arg11[%get3A_178] {strides = array<i32>} : memref<80xi32, #tpu.memory_space<vmem>>, vector<16xi32>,
      %get3A_180 = vector.shape_cast %get3A_179 : vector<16xi32> to vector<16xi32>
      %swap3A_181 = arith.constant 16 : index
      %swap3A_182 = tpu.vector_load %arg13[%swap3A_181] {strides = array<i32>} : memref<80xi32, #tpu.memory_space<vmem>>, vector<16xi32>,
      %swap3A_183 = vector.shape_cast %swap3A_182 : vector<16xi32> to vector<16xi32>
      %swap3A_184 = vector.shape_cast %get3A_180 : vector<16xi32> to vector<16xi32>
      tpu.vector_store %arg13[%swap3A_181], %swap3A_184 {strides = array<i32>} : memref<80xi32, #tpu.memory_space<vmem>>, vector<16xi32>,
      %get3A_185 = arith.constant 32 : index
      %get3A_186 = tpu.vector_load %arg11[%get3A_185] {strides = array<i32>} : memref<80xi32, #tpu.memory_space<vmem>>, vector<16xi32>,
      %get3A_187 = vector.shape_cast %get3A_186 : vector<16xi32> to vector<16xi32>
      %swap3A_188 = arith.constant 32 : index
      %swap3A_189 = tpu.vector_load %arg13[%swap3A_188] {strides = array<i32>} : memref<80xi32, #tpu.memory_space<vmem>>, vector<16xi32>,
      %swap3A_190 = vector.shape_cast %swap3A_189 : vector<16xi32> to vector<16xi32>
      %swap3A_191 = vector.shape_cast %get3A_187 : vector<16xi32> to vector<16xi32>
      tpu.vector_store %arg13[%swap3A_188], %swap3A_191 {strides = array<i32>} : memref<80xi32, #tpu.memory_space<vmem>>, vector<16xi32>,
      %get3A_192 = arith.constant 48 : index
      %get3A_193 = tpu.vector_load %arg11[%get3A_192] {strides = array<i32>} : memref<80xi32, #tpu.memory_space<vmem>>, vector<16xi32>,
      %get3A_194 = vector.shape_cast %get3A_193 : vector<16xi32> to vector<16xi32>
      %swap3A_195 = arith.constant 48 : index
      %swap3A_196 = tpu.vector_load %arg13[%swap3A_195] {strides = array<i32>} : memref<80xi32, #tpu.memory_space<vmem>>, vector<16xi32>,
      %swap3A_197 = vector.shape_cast %swap3A_196 : vector<16xi32> to vector<16xi32>
      %swap3A_198 = vector.shape_cast %get3A_194 : vector<16xi32> to vector<16xi32>
      tpu.vector_store %arg13[%swap3A_195], %swap3A_198 {strides = array<i32>} : memref<80xi32, #tpu.memory_space<vmem>>, vector<16xi32>,
      %get3A_199 = arith.constant 64 : index
      %get3A_200 = tpu.vector_load %arg11[%get3A_199] {strides = array<i32>} : memref<80xi32, #tpu.memory_space<vmem>>, vector<16xi32>,
      %get3A_201 = vector.shape_cast %get3A_200 : vector<16xi32> to vector<16xi32>
      %swap3A_202 = arith.constant 64 : index
      %swap3A_203 = tpu.vector_load %arg13[%swap3A_202] {strides = array<i32>} : memref<80xi32, #tpu.memory_space<vmem>>, vector<16xi32>,
      %swap3A_204 = vector.shape_cast %swap3A_203 : vector<16xi32> to vector<16xi32>
      %swap3A_205 = vector.shape_cast %get3A_201 : vector<16xi32> to vector<16xi32>
      tpu.vector_store %arg13[%swap3A_202], %swap3A_205 {strides = array<i32>} : memref<80xi32, #tpu.memory_space<vmem>>, vector<16xi32>,
      %add3A_206 = arith.constant 2 : i32
      %add3A_207 = arith.addi %add3A_164, %add3A_206 : i32
      %lt3A_208 = arith.constant 125 : i32
      %lt3A_209 = arith.cmpi slt, %add3A_207, %lt3A_208 : i32
      %convert_element_type3A_210 = arith.extui %lt3A_209 : i1 to i32
      %cond3A_211 = arith.constant 0 : i32
      %cond3A_212 = arith.cmpi ne, %convert_element_type3A_210, %cond3A_211 : i32
      scf.if %cond3A_212 {
        %add3A_226 = arith.constant 2 : i32
        %add3A_227 = arith.addi %add3A_164, %add3A_226 : i32
        %mul3A_228 = arith.constant 80 : i32
        %mul3A_229 = arith.muli %add3A_227, %mul3A_228 : i32
        %add3A_230 = arith.addi %mul3A_6, %mul3A_229 : i32
        %dma_start3A_231 = tpu.memref_slice %arg4[%add3A_230] : memref<320000xi32, #tpu.memory_space<hbm>> -> memref<80xi32, #tpu.memory_space<hbm>>
        %dma_start3A_232 = tpu.memref_slice %arg4[%add3A_230] : memref<320000xi32, #tpu.memory_space<hbm>> -> memref<80xi32, #tpu.memory_space<hbm>>
        tpu.enqueue_dma source(%dma_start3A_232 : memref<80xi32, #tpu.memory_space<hbm>>) target(%arg9 : memref<80xi32, #tpu.memory_space<vmem>>) target_semaphore(%arg20 : memref<!tpu.dma_semaphore, #tpu.memory_space<semaphore_mem>>)
        %mul3A_233 = arith.constant 80 : i32
        %mul3A_234 = arith.muli %add3A_227, %mul3A_233 : i32
        %add3A_235 = arith.addi %mul3A_6, %mul3A_234 : i32
        %dma_start3A_236 = tpu.memref_slice %arg5[%add3A_235] : memref<320000xi32, #tpu.memory_space<hbm>> -> memref<80xi32, #tpu.memory_space<hbm>>
        %dma_start3A_237 = tpu.memref_slice %arg5[%add3A_235] : memref<320000xi32, #tpu.memory_space<hbm>> -> memref<80xi32, #tpu.memory_space<hbm>>
        tpu.enqueue_dma source(%dma_start3A_237 : memref<80xi32, #tpu.memory_space<hbm>>) target(%arg11 : memref<80xi32, #tpu.memory_space<vmem>>) target_semaphore(%arg20 : memref<!tpu.dma_semaphore, #tpu.memory_space<semaphore_mem>>)
      } else {
      }
      %add3A_213 = arith.constant 1 : i32
      %add3A_214 = arith.addi %add3A_164, %add3A_213 : i32
      %lt3A_215 = arith.constant 125 : i32
      %lt3A_216 = arith.cmpi slt, %add3A_214, %lt3A_215 : i32
      %convert_element_type3A_217 = arith.extui %lt3A_216 : i1 to i32
      %cond3A_218 = arith.constant 0 : i32
      %cond3A_219 = arith.cmpi ne, %convert_element_type3A_217, %cond3A_218 : i32
      scf.if %cond3A_219 {
        %add3A_226 = arith.constant 1 : i32
        %add3A_227 = arith.addi %add3A_164, %add3A_226 : i32
        %mul3A_228 = arith.constant 80 : i32
        %mul3A_229 = arith.muli %add3A_227, %mul3A_228 : i32
        %add3A_230 = arith.addi %mul3A_6, %mul3A_229 : i32
        %dma_wait3A_231 = tpu.memref_slice %arg4[%add3A_230] : memref<320000xi32, #tpu.memory_space<hbm>> -> memref<80xi32, #tpu.memory_space<hbm>>
        %dma_wait3A_232 = tpu.memref_slice %arg4[%add3A_230] : memref<320000xi32, #tpu.memory_space<hbm>> -> memref<80xi32, #tpu.memory_space<hbm>>
        tpu.wait_dma2 semaphore(%arg19 : memref<!tpu.dma_semaphore, #tpu.memory_space<semaphore_mem>>) src(%dma_wait3A_232 : memref<80xi32, #tpu.memory_space<hbm>>) dst(%arg8 : memref<80xi32, #tpu.memory_space<vmem>>)
        %mul3A_233 = arith.constant 80 : i32
        %mul3A_234 = arith.muli %add3A_227, %mul3A_233 : i32
        %add3A_235 = arith.addi %mul3A_6, %mul3A_234 : i32
        %dma_wait3A_236 = tpu.memref_slice %arg5[%add3A_235] : memref<320000xi32, #tpu.memory_space<hbm>> -> memref<80xi32, #tpu.memory_space<hbm>>
        %dma_wait3A_237 = tpu.memref_slice %arg5[%add3A_235] : memref<320000xi32, #tpu.memory_space<hbm>> -> memref<80xi32, #tpu.memory_space<hbm>>
        tpu.wait_dma2 semaphore(%arg19 : memref<!tpu.dma_semaphore, #tpu.memory_space<semaphore_mem>>) src(%dma_wait3A_237 : memref<80xi32, #tpu.memory_space<hbm>>) dst(%arg10 : memref<80xi32, #tpu.memory_space<vmem>>)
        %dma_start3A_238 = arith.constant 0 : i32
        %dma_start3A_239 = arith.constant 0 : i32
        %dma_start3A_240 = tpu.memref_slice %arg2[%dma_start3A_238, %dma_start3A_239] : memref<10000x128xf32, #tpu.memory_space<hbm>> -> memref<10000x128xf32, #tpu.memory_space<hbm>>
        tpu.enqueue_indirect_dma source(%dma_start3A_240 : memref<10000x128xf32, #tpu.memory_space<hbm>>) target(%arg14 : memref<80x128xf32, #tpu.memory_space<vmem>>) offsets(%arg8 : memref<80xi32, #tpu.memory_space<vmem>>) semaphore(%arg21 : memref<!tpu.dma_semaphore, #tpu.memory_space<semaphore_mem>>)
        %dma_start3A_241 = arith.constant 0 : i32
        %dma_start3A_242 = arith.constant 0 : i32
        %dma_start3A_243 = tpu.memref_slice %arg3[%dma_start3A_241, %dma_start3A_242] : memref<10000x128xf32, #tpu.memory_space<hbm>> -> memref<10000x128xf32, #tpu.memory_space<hbm>>
        tpu.enqueue_indirect_dma source(%dma_start3A_243 : memref<10000x128xf32, #tpu.memory_space<hbm>>) target(%arg16 : memref<80x128xf32, #tpu.memory_space<vmem>>) offsets(%arg10 : memref<80xi32, #tpu.memory_space<vmem>>) semaphore(%arg23 : memref<!tpu.dma_semaphore, #tpu.memory_space<semaphore_mem>>)
      } else {
      }
      %scan3A_220 = arith.constant 0 : i32
      %scan3A_221 = arith.constant 0 : i32
      %scan3A_222 = arith.constant 80 : i32
      %scan3A_223 = arith.addi %scan3A_221, %scan3A_222 : i32
      %scan3A_224 = arith.constant 1 : i32
      scf.for %scan3A_226 = %scan3A_221 to %scan3A_223 step %scan3A_224  : i32 {
        %get3A_227 = arith.index_cast %scan3A_226 : i32 to index
        %get3A_228 = arith.constant 0 : index
        %get3A_229 = tpu.vector_load %arg15[%get3A_227, %get3A_228] {strides = array<i32>} : memref<80x128xf32, #tpu.memory_space<vmem>>, vector<1x16xf32>,
        %get3A_230 = vector.shape_cast %get3A_229 : vector<1x16xf32> to vector<16xf32>
        %get3A_231 = arith.index_cast %scan3A_226 : i32 to index
        %get3A_232 = arith.constant 0 : index
        %get3A_233 = tpu.vector_load %arg17[%get3A_231, %get3A_232] {strides = array<i32>} : memref<80x128xf32, #tpu.memory_space<vmem>>, vector<1x16xf32>,
        %get3A_234 = vector.shape_cast %get3A_233 : vector<1x16xf32> to vector<16xf32>
        %add3A_235 = arith.addf %get3A_230, %get3A_234 : vector<16xf32>
        %max3A = arith.constant 0.000000e+00 : f32
        %max3A_236 = vector.broadcast %max3A : f32 to vector<16xf32>
        %max3A_237 = arith.maximumf %add3A_235, %max3A_236 : vector<16xf32>
        %swap3A_238 = arith.index_cast %scan3A_226 : i32 to index
        %swap3A_239 = arith.constant 0 : index
        %swap3A_240 = tpu.vector_load %arg15[%swap3A_238, %swap3A_239] {strides = array<i32>} : memref<80x128xf32, #tpu.memory_space<vmem>>, vector<1x16xf32>,
        %swap3A_241 = vector.shape_cast %swap3A_240 : vector<1x16xf32> to vector<16xf32>
        %swap3A_242 = vector.shape_cast %max3A_237 : vector<16xf32> to vector<1x16xf32>
        tpu.vector_store %arg15[%swap3A_238, %swap3A_239], %swap3A_242 {strides = array<i32>} : memref<80x128xf32, #tpu.memory_space<vmem>>, vector<1x16xf32>,
        %get3A_243 = arith.index_cast %scan3A_226 : i32 to index
        %get3A_244 = arith.constant 16 : index
        %get3A_245 = tpu.vector_load %arg15[%get3A_243, %get3A_244] {strides = array<i32>} : memref<80x128xf32, #tpu.memory_space<vmem>>, vector<1x16xf32>,
        %get3A_246 = vector.shape_cast %get3A_245 : vector<1x16xf32> to vector<16xf32>
        %get3A_247 = arith.index_cast %scan3A_226 : i32 to index
        %get3A_248 = arith.constant 16 : index
        %get3A_249 = tpu.vector_load %arg17[%get3A_247, %get3A_248] {strides = array<i32>} : memref<80x128xf32, #tpu.memory_space<vmem>>, vector<1x16xf32>,
        %get3A_250 = vector.shape_cast %get3A_249 : vector<1x16xf32> to vector<16xf32>
        %add3A_251 = arith.addf %get3A_246, %get3A_250 : vector<16xf32>
        %max3A_252 = arith.constant 0.000000e+00 : f32
        %max3A_253 = vector.broadcast %max3A_252 : f32 to vector<16xf32>
        %max3A_254 = arith.maximumf %add3A_251, %max3A_253 : vector<16xf32>
        %swap3A_255 = arith.index_cast %scan3A_226 : i32 to index
        %swap3A_256 = arith.constant 16 : index
        %swap3A_257 = tpu.vector_load %arg15[%swap3A_255, %swap3A_256] {strides = array<i32>} : memref<80x128xf32, #tpu.memory_space<vmem>>, vector<1x16xf32>,
        %swap3A_258 = vector.shape_cast %swap3A_257 : vector<1x16xf32> to vector<16xf32>
        %swap3A_259 = vector.shape_cast %max3A_254 : vector<16xf32> to vector<1x16xf32>
        tpu.vector_store %arg15[%swap3A_255, %swap3A_256], %swap3A_259 {strides = array<i32>} : memref<80x128xf32, #tpu.memory_space<vmem>>, vector<1x16xf32>,
        %get3A_260 = arith.index_cast %scan3A_226 : i32 to index
        %get3A_261 = arith.constant 32 : index
        %get3A_262 = tpu.vector_load %arg15[%get3A_260, %get3A_261] {strides = array<i32>} : memref<80x128xf32, #tpu.memory_space<vmem>>, vector<1x16xf32>,
        %get3A_263 = vector.shape_cast %get3A_262 : vector<1x16xf32> to vector<16xf32>
        %get3A_264 = arith.index_cast %scan3A_226 : i32 to index
        %get3A_265 = arith.constant 32 : index
        %get3A_266 = tpu.vector_load %arg17[%get3A_264, %get3A_265] {strides = array<i32>} : memref<80x128xf32, #tpu.memory_space<vmem>>, vector<1x16xf32>,
        %get3A_267 = vector.shape_cast %get3A_266 : vector<1x16xf32> to vector<16xf32>
        %add3A_268 = arith.addf %get3A_263, %get3A_267 : vector<16xf32>
        %max3A_269 = arith.constant 0.000000e+00 : f32
        %max3A_270 = vector.broadcast %max3A_269 : f32 to vector<16xf32>
        %max3A_271 = arith.maximumf %add3A_268, %max3A_270 : vector<16xf32>
        %swap3A_272 = arith.index_cast %scan3A_226 : i32 to index
        %swap3A_273 = arith.constant 32 : index
        %swap3A_274 = tpu.vector_load %arg15[%swap3A_272, %swap3A_273] {strides = array<i32>} : memref<80x128xf32, #tpu.memory_space<vmem>>, vector<1x16xf32>,
        %swap3A_275 = vector.shape_cast %swap3A_274 : vector<1x16xf32> to vector<16xf32>
        %swap3A_276 = vector.shape_cast %max3A_271 : vector<16xf32> to vector<1x16xf32>
        tpu.vector_store %arg15[%swap3A_272, %swap3A_273], %swap3A_276 {strides = array<i32>} : memref<80x128xf32, #tpu.memory_space<vmem>>, vector<1x16xf32>,
        %get3A_277 = arith.index_cast %scan3A_226 : i32 to index
        %get3A_278 = arith.constant 48 : index
        %get3A_279 = tpu.vector_load %arg15[%get3A_277, %get3A_278] {strides = array<i32>} : memref<80x128xf32, #tpu.memory_space<vmem>>, vector<1x16xf32>,
        %get3A_280 = vector.shape_cast %get3A_279 : vector<1x16xf32> to vector<16xf32>
        %get3A_281 = arith.index_cast %scan3A_226 : i32 to index
        %get3A_282 = arith.constant 48 : index
        %get3A_283 = tpu.vector_load %arg17[%get3A_281, %get3A_282] {strides = array<i32>} : memref<80x128xf32, #tpu.memory_space<vmem>>, vector<1x16xf32>,
        %get3A_284 = vector.shape_cast %get3A_283 : vector<1x16xf32> to vector<16xf32>
        %add3A_285 = arith.addf %get3A_280, %get3A_284 : vector<16xf32>
        %max3A_286 = arith.constant 0.000000e+00 : f32
        %max3A_287 = vector.broadcast %max3A_286 : f32 to vector<16xf32>
        %max3A_288 = arith.maximumf %add3A_285, %max3A_287 : vector<16xf32>
        %swap3A_289 = arith.index_cast %scan3A_226 : i32 to index
        %swap3A_290 = arith.constant 48 : index
        %swap3A_291 = tpu.vector_load %arg15[%swap3A_289, %swap3A_290] {strides = array<i32>} : memref<80x128xf32, #tpu.memory_space<vmem>>, vector<1x16xf32>,
        %swap3A_292 = vector.shape_cast %swap3A_291 : vector<1x16xf32> to vector<16xf32>
        %swap3A_293 = vector.shape_cast %max3A_288 : vector<16xf32> to vector<1x16xf32>
        tpu.vector_store %arg15[%swap3A_289, %swap3A_290], %swap3A_293 {strides = array<i32>} : memref<80x128xf32, #tpu.memory_space<vmem>>, vector<1x16xf32>,
        %get3A_294 = arith.index_cast %scan3A_226 : i32 to index
        %get3A_295 = arith.constant 64 : index
        %get3A_296 = tpu.vector_load %arg15[%get3A_294, %get3A_295] {strides = array<i32>} : memref<80x128xf32, #tpu.memory_space<vmem>>, vector<1x16xf32>,
        %get3A_297 = vector.shape_cast %get3A_296 : vector<1x16xf32> to vector<16xf32>
        %get3A_298 = arith.index_cast %scan3A_226 : i32 to index
        %get3A_299 = arith.constant 64 : index
        %get3A_300 = tpu.vector_load %arg17[%get3A_298, %get3A_299] {strides = array<i32>} : memref<80x128xf32, #tpu.memory_space<vmem>>, vector<1x16xf32>,
        %get3A_301 = vector.shape_cast %get3A_300 : vector<1x16xf32> to vector<16xf32>
        %add3A_302 = arith.addf %get3A_297, %get3A_301 : vector<16xf32>
        %max3A_303 = arith.constant 0.000000e+00 : f32
        %max3A_304 = vector.broadcast %max3A_303 : f32 to vector<16xf32>
        %max3A_305 = arith.maximumf %add3A_302, %max3A_304 : vector<16xf32>
        %swap3A_306 = arith.index_cast %scan3A_226 : i32 to index
        %swap3A_307 = arith.constant 64 : index
        %swap3A_308 = tpu.vector_load %arg15[%swap3A_306, %swap3A_307] {strides = array<i32>} : memref<80x128xf32, #tpu.memory_space<vmem>>, vector<1x16xf32>,
        %swap3A_309 = vector.shape_cast %swap3A_308 : vector<1x16xf32> to vector<16xf32>
        %swap3A_310 = vector.shape_cast %max3A_305 : vector<16xf32> to vector<1x16xf32>
        tpu.vector_store %arg15[%swap3A_306, %swap3A_307], %swap3A_310 {strides = array<i32>} : memref<80x128xf32, #tpu.memory_space<vmem>>, vector<1x16xf32>,
        %get3A_311 = arith.index_cast %scan3A_226 : i32 to index
        %get3A_312 = arith.constant 80 : index
        %get3A_313 = tpu.vector_load %arg15[%get3A_311, %get3A_312] {strides = array<i32>} : memref<80x128xf32, #tpu.memory_space<vmem>>, vector<1x16xf32>,
        %get3A_314 = vector.shape_cast %get3A_313 : vector<1x16xf32> to vector<16xf32>
        %get3A_315 = arith.index_cast %scan3A_226 : i32 to index
        %get3A_316 = arith.constant 80 : index
        %get3A_317 = tpu.vector_load %arg17[%get3A_315, %get3A_316] {strides = array<i32>} : memref<80x128xf32, #tpu.memory_space<vmem>>, vector<1x16xf32>,
        %get3A_318 = vector.shape_cast %get3A_317 : vector<1x16xf32> to vector<16xf32>
        %add3A_319 = arith.addf %get3A_314, %get3A_318 : vector<16xf32>
        %max3A_320 = arith.constant 0.000000e+00 : f32
        %max3A_321 = vector.broadcast %max3A_320 : f32 to vector<16xf32>
        %max3A_322 = arith.maximumf %add3A_319, %max3A_321 : vector<16xf32>
        %swap3A_323 = arith.index_cast %scan3A_226 : i32 to index
        %swap3A_324 = arith.constant 80 : index
        %swap3A_325 = tpu.vector_load %arg15[%swap3A_323, %swap3A_324] {strides = array<i32>} : memref<80x128xf32, #tpu.memory_space<vmem>>, vector<1x16xf32>,
        %swap3A_326 = vector.shape_cast %swap3A_325 : vector<1x16xf32> to vector<16xf32>
        %swap3A_327 = vector.shape_cast %max3A_322 : vector<16xf32> to vector<1x16xf32>
        tpu.vector_store %arg15[%swap3A_323, %swap3A_324], %swap3A_327 {strides = array<i32>} : memref<80x128xf32, #tpu.memory_space<vmem>>, vector<1x16xf32>,
        %get3A_328 = arith.index_cast %scan3A_226 : i32 to index
        %get3A_329 = arith.constant 96 : index
        %get3A_330 = tpu.vector_load %arg15[%get3A_328, %get3A_329] {strides = array<i32>} : memref<80x128xf32, #tpu.memory_space<vmem>>, vector<1x16xf32>,
        %get3A_331 = vector.shape_cast %get3A_330 : vector<1x16xf32> to vector<16xf32>
        %get3A_332 = arith.index_cast %scan3A_226 : i32 to index
        %get3A_333 = arith.constant 96 : index
        %get3A_334 = tpu.vector_load %arg17[%get3A_332, %get3A_333] {strides = array<i32>} : memref<80x128xf32, #tpu.memory_space<vmem>>, vector<1x16xf32>,
        %get3A_335 = vector.shape_cast %get3A_334 : vector<1x16xf32> to vector<16xf32>
        %add3A_336 = arith.addf %get3A_331, %get3A_335 : vector<16xf32>
        %max3A_337 = arith.constant 0.000000e+00 : f32
        %max3A_338 = vector.broadcast %max3A_337 : f32 to vector<16xf32>
        %max3A_339 = arith.maximumf %add3A_336, %max3A_338 : vector<16xf32>
        %swap3A_340 = arith.index_cast %scan3A_226 : i32 to index
        %swap3A_341 = arith.constant 96 : index
        %swap3A_342 = tpu.vector_load %arg15[%swap3A_340, %swap3A_341] {strides = array<i32>} : memref<80x128xf32, #tpu.memory_space<vmem>>, vector<1x16xf32>,
        %swap3A_343 = vector.shape_cast %swap3A_342 : vector<1x16xf32> to vector<16xf32>
        %swap3A_344 = vector.shape_cast %max3A_339 : vector<16xf32> to vector<1x16xf32>
        tpu.vector_store %arg15[%swap3A_340, %swap3A_341], %swap3A_344 {strides = array<i32>} : memref<80x128xf32, #tpu.memory_space<vmem>>, vector<1x16xf32>,
        %get3A_345 = arith.index_cast %scan3A_226 : i32 to index
        %get3A_346 = arith.constant 112 : index
        %get3A_347 = tpu.vector_load %arg15[%get3A_345, %get3A_346] {strides = array<i32>} : memref<80x128xf32, #tpu.memory_space<vmem>>, vector<1x16xf32>,
        %get3A_348 = vector.shape_cast %get3A_347 : vector<1x16xf32> to vector<16xf32>
        %get3A_349 = arith.index_cast %scan3A_226 : i32 to index
        %get3A_350 = arith.constant 112 : index
        %get3A_351 = tpu.vector_load %arg17[%get3A_349, %get3A_350] {strides = array<i32>} : memref<80x128xf32, #tpu.memory_space<vmem>>, vector<1x16xf32>,
        %get3A_352 = vector.shape_cast %get3A_351 : vector<1x16xf32> to vector<16xf32>
        %add3A_353 = arith.addf %get3A_348, %get3A_352 : vector<16xf32>
        %max3A_354 = arith.constant 0.000000e+00 : f32
        %max3A_355 = vector.broadcast %max3A_354 : f32 to vector<16xf32>
        %max3A_356 = arith.maximumf %add3A_353, %max3A_355 : vector<16xf32>
        %swap3A_357 = arith.index_cast %scan3A_226 : i32 to index
        %swap3A_358 = arith.constant 112 : index
        %swap3A_359 = tpu.vector_load %arg15[%swap3A_357, %swap3A_358] {strides = array<i32>} : memref<80x128xf32, #tpu.memory_space<vmem>>, vector<1x16xf32>,
        %swap3A_360 = vector.shape_cast %swap3A_359 : vector<1x16xf32> to vector<16xf32>
        %swap3A_361 = vector.shape_cast %max3A_356 : vector<16xf32> to vector<1x16xf32>
        tpu.vector_store %arg15[%swap3A_357, %swap3A_358], %swap3A_361 {strides = array<i32>} : memref<80x128xf32, #tpu.memory_space<vmem>>, vector<1x16xf32>,
      }
      %scan3A_225 = arith.constant 80 : i32
      "tpu.region"() ({
        %run_scoped3A = tpu.sem_alloc : memref<!tpu.dma_semaphore, #tpu.memory_space<semaphore_mem>>
        %dma_start3A_226 = arith.constant 0 : i32
        %dma_start3A_227 = arith.constant 0 : i32
        %dma_start3A_228 = tpu.memref_slice %arg18[%dma_start3A_226, %dma_start3A_227] : memref<10000x128xf32, #tpu.memory_space<vmem_shared>> -> memref<10000x128xf32, #tpu.memory_space<vmem_shared>>
        tpu.enqueue_indirect_dma source(%arg15 : memref<80x128xf32, #tpu.memory_space<vmem>>) target(%dma_start3A_228 : memref<10000x128xf32, #tpu.memory_space<vmem_shared>>) offsets(%arg13 : memref<80xi32, #tpu.memory_space<vmem>>) semaphore(%run_scoped3A : memref<!tpu.dma_semaphore, #tpu.memory_space<semaphore_mem>>) {add = true}
        %dma_wait3A_229 = arith.constant 0 : i32
        %dma_wait3A_230 = arith.constant 0 : i32
        %dma_wait3A_231 = tpu.memref_slice %arg18[%dma_wait3A_229, %dma_wait3A_230] : memref<10000x128xf32, #tpu.memory_space<vmem_shared>> -> memref<10000x128xf32, #tpu.memory_space<vmem_shared>>
        tpu.wait_indirect_dma semaphore(%run_scoped3A : memref<!tpu.dma_semaphore, #tpu.memory_space<semaphore_mem>>) src(%arg15 : memref<80x128xf32, #tpu.memory_space<vmem>>) dst(%dma_wait3A_231 : memref<10000x128xf32, #tpu.memory_space<vmem_shared>>)
        tpu.yield
      }) : () -> ()
    }
    %scan3A_39 = arith.constant 62 : i32
    %dma_wait3A_40 = arith.constant 0 : i32
    %dma_wait3A_41 = arith.constant 0 : i32
    %dma_wait3A_42 = tpu.memref_slice %arg2[%dma_wait3A_40, %dma_wait3A_41] : memref<10000x128xf32, #tpu.memory_space<hbm>> -> memref<10000x128xf32, #tpu.memory_space<hbm>>
    tpu.wait_indirect_dma semaphore(%arg21 : memref<!tpu.dma_semaphore, #tpu.memory_space<semaphore_mem>>) src(%dma_wait3A_42 : memref<10000x128xf32, #tpu.memory_space<hbm>>) dst(%arg14 : memref<80x128xf32, #tpu.memory_space<vmem>>)
    %dma_wait3A_43 = arith.constant 0 : i32
    %dma_wait3A_44 = arith.constant 0 : i32
    %dma_wait3A_45 = tpu.memref_slice %arg3[%dma_wait3A_43, %dma_wait3A_44] : memref<10000x128xf32, #tpu.memory_space<hbm>> -> memref<10000x128xf32, #tpu.memory_space<hbm>>
    tpu.wait_indirect_dma semaphore(%arg23 : memref<!tpu.dma_semaphore, #tpu.memory_space<semaphore_mem>>) src(%dma_wait3A_45 : memref<10000x128xf32, #tpu.memory_space<hbm>>) dst(%arg16 : memref<80x128xf32, #tpu.memory_space<vmem>>)
    %get3A = arith.constant 0 : index
    %get3A_46 = tpu.vector_load %arg10[%get3A] {strides = array<i32>} : memref<80xi32, #tpu.memory_space<vmem>>, vector<16xi32>,
    %get3A_47 = vector.shape_cast %get3A_46 : vector<16xi32> to vector<16xi32>
    %swap3A = arith.constant 0 : index
    %swap3A_48 = tpu.vector_load %arg12[%swap3A] {strides = array<i32>} : memref<80xi32, #tpu.memory_space<vmem>>, vector<16xi32>,
    %swap3A_49 = vector.shape_cast %swap3A_48 : vector<16xi32> to vector<16xi32>
    %swap3A_50 = vector.shape_cast %get3A_47 : vector<16xi32> to vector<16xi32>
    tpu.vector_store %arg12[%swap3A], %swap3A_50 {strides = array<i32>} : memref<80xi32, #tpu.memory_space<vmem>>, vector<16xi32>,
    %get3A_51 = arith.constant 16 : index
    %get3A_52 = tpu.vector_load %arg10[%get3A_51] {strides = array<i32>} : memref<80xi32, #tpu.memory_space<vmem>>, vector<16xi32>,
    %get3A_53 = vector.shape_cast %get3A_52 : vector<16xi32> to vector<16xi32>
    %swap3A_54 = arith.constant 16 : index
    %swap3A_55 = tpu.vector_load %arg12[%swap3A_54] {strides = array<i32>} : memref<80xi32, #tpu.memory_space<vmem>>, vector<16xi32>,
    %swap3A_56 = vector.shape_cast %swap3A_55 : vector<16xi32> to vector<16xi32>
    %swap3A_57 = vector.shape_cast %get3A_53 : vector<16xi32> to vector<16xi32>
    tpu.vector_store %arg12[%swap3A_54], %swap3A_57 {strides = array<i32>} : memref<80xi32, #tpu.memory_space<vmem>>, vector<16xi32>,
    %get3A_58 = arith.constant 32 : index
    %get3A_59 = tpu.vector_load %arg10[%get3A_58] {strides = array<i32>} : memref<80xi32, #tpu.memory_space<vmem>>, vector<16xi32>,
    %get3A_60 = vector.shape_cast %get3A_59 : vector<16xi32> to vector<16xi32>
    %swap3A_61 = arith.constant 32 : index
    %swap3A_62 = tpu.vector_load %arg12[%swap3A_61] {strides = array<i32>} : memref<80xi32, #tpu.memory_space<vmem>>, vector<16xi32>,
    %swap3A_63 = vector.shape_cast %swap3A_62 : vector<16xi32> to vector<16xi32>
    %swap3A_64 = vector.shape_cast %get3A_60 : vector<16xi32> to vector<16xi32>
    tpu.vector_store %arg12[%swap3A_61], %swap3A_64 {strides = array<i32>} : memref<80xi32, #tpu.memory_space<vmem>>, vector<16xi32>,
    %get3A_65 = arith.constant 48 : index
    %get3A_66 = tpu.vector_load %arg10[%get3A_65] {strides = array<i32>} : memref<80xi32, #tpu.memory_space<vmem>>, vector<16xi32>,
    %get3A_67 = vector.shape_cast %get3A_66 : vector<16xi32> to vector<16xi32>
    %swap3A_68 = arith.constant 48 : index
    %swap3A_69 = tpu.vector_load %arg12[%swap3A_68] {strides = array<i32>} : memref<80xi32, #tpu.memory_space<vmem>>, vector<16xi32>,
    %swap3A_70 = vector.shape_cast %swap3A_69 : vector<16xi32> to vector<16xi32>
    %swap3A_71 = vector.shape_cast %get3A_67 : vector<16xi32> to vector<16xi32>
    tpu.vector_store %arg12[%swap3A_68], %swap3A_71 {strides = array<i32>} : memref<80xi32, #tpu.memory_space<vmem>>, vector<16xi32>,
    %get3A_72 = arith.constant 64 : index
    %get3A_73 = tpu.vector_load %arg10[%get3A_72] {strides = array<i32>} : memref<80xi32, #tpu.memory_space<vmem>>, vector<16xi32>,
    %get3A_74 = vector.shape_cast %get3A_73 : vector<16xi32> to vector<16xi32>
    %swap3A_75 = arith.constant 64 : index
    %swap3A_76 = tpu.vector_load %arg12[%swap3A_75] {strides = array<i32>} : memref<80xi32, #tpu.memory_space<vmem>>, vector<16xi32>,
    %swap3A_77 = vector.shape_cast %swap3A_76 : vector<16xi32> to vector<16xi32>
    %swap3A_78 = vector.shape_cast %get3A_74 : vector<16xi32> to vector<16xi32>
    tpu.vector_store %arg12[%swap3A_75], %swap3A_78 {strides = array<i32>} : memref<80xi32, #tpu.memory_space<vmem>>, vector<16xi32>,
    %scan3A_79 = arith.constant 0 : i32
    %scan3A_80 = arith.constant 0 : i32
    %scan3A_81 = arith.constant 80 : i32
    %scan3A_82 = arith.addi %scan3A_80, %scan3A_81 : i32
    %scan3A_83 = arith.constant 1 : i32
    scf.for %scan3A_98 = %scan3A_80 to %scan3A_82 step %scan3A_83  : i32 {
      %get3A_99 = arith.index_cast %scan3A_98 : i32 to index
      %get3A_100 = arith.constant 0 : index
      %get3A_101 = tpu.vector_load %arg14[%get3A_99, %get3A_100] {strides = array<i32>} : memref<80x128xf32, #tpu.memory_space<vmem>>, vector<1x16xf32>,
      %get3A_102 = vector.shape_cast %get3A_101 : vector<1x16xf32> to vector<16xf32>
      %get3A_103 = arith.index_cast %scan3A_98 : i32 to index
      %get3A_104 = arith.constant 0 : index
      %get3A_105 = tpu.vector_load %arg16[%get3A_103, %get3A_104] {strides = array<i32>} : memref<80x128xf32, #tpu.memory_space<vmem>>, vector<1x16xf32>,
      %get3A_106 = vector.shape_cast %get3A_105 : vector<1x16xf32> to vector<16xf32>
      %add3A_107 = arith.addf %get3A_102, %get3A_106 : vector<16xf32>
      %max3A = arith.constant 0.000000e+00 : f32
      %max3A_108 = vector.broadcast %max3A : f32 to vector<16xf32>
      %max3A_109 = arith.maximumf %add3A_107, %max3A_108 : vector<16xf32>
      %swap3A_110 = arith.index_cast %scan3A_98 : i32 to index
      %swap3A_111 = arith.constant 0 : index
      %swap3A_112 = tpu.vector_load %arg14[%swap3A_110, %swap3A_111] {strides = array<i32>} : memref<80x128xf32, #tpu.memory_space<vmem>>, vector<1x16xf32>,
      %swap3A_113 = vector.shape_cast %swap3A_112 : vector<1x16xf32> to vector<16xf32>
      %swap3A_114 = vector.shape_cast %max3A_109 : vector<16xf32> to vector<1x16xf32>
      tpu.vector_store %arg14[%swap3A_110, %swap3A_111], %swap3A_114 {strides = array<i32>} : memref<80x128xf32, #tpu.memory_space<vmem>>, vector<1x16xf32>,
      %get3A_115 = arith.index_cast %scan3A_98 : i32 to index
      %get3A_116 = arith.constant 16 : index
      %get3A_117 = tpu.vector_load %arg14[%get3A_115, %get3A_116] {strides = array<i32>} : memref<80x128xf32, #tpu.memory_space<vmem>>, vector<1x16xf32>,
      %get3A_118 = vector.shape_cast %get3A_117 : vector<1x16xf32> to vector<16xf32>
      %get3A_119 = arith.index_cast %scan3A_98 : i32 to index
      %get3A_120 = arith.constant 16 : index
      %get3A_121 = tpu.vector_load %arg16[%get3A_119, %get3A_120] {strides = array<i32>} : memref<80x128xf32, #tpu.memory_space<vmem>>, vector<1x16xf32>,
      %get3A_122 = vector.shape_cast %get3A_121 : vector<1x16xf32> to vector<16xf32>
      %add3A_123 = arith.addf %get3A_118, %get3A_122 : vector<16xf32>
      %max3A_124 = arith.constant 0.000000e+00 : f32
      %max3A_125 = vector.broadcast %max3A_124 : f32 to vector<16xf32>
      %max3A_126 = arith.maximumf %add3A_123, %max3A_125 : vector<16xf32>
      %swap3A_127 = arith.index_cast %scan3A_98 : i32 to index
      %swap3A_128 = arith.constant 16 : index
      %swap3A_129 = tpu.vector_load %arg14[%swap3A_127, %swap3A_128] {strides = array<i32>} : memref<80x128xf32, #tpu.memory_space<vmem>>, vector<1x16xf32>,
      %swap3A_130 = vector.shape_cast %swap3A_129 : vector<1x16xf32> to vector<16xf32>
      %swap3A_131 = vector.shape_cast %max3A_126 : vector<16xf32> to vector<1x16xf32>
      tpu.vector_store %arg14[%swap3A_127, %swap3A_128], %swap3A_131 {strides = array<i32>} : memref<80x128xf32, #tpu.memory_space<vmem>>, vector<1x16xf32>,
      %get3A_132 = arith.index_cast %scan3A_98 : i32 to index
      %get3A_133 = arith.constant 32 : index
      %get3A_134 = tpu.vector_load %arg14[%get3A_132, %get3A_133] {strides = array<i32>} : memref<80x128xf32, #tpu.memory_space<vmem>>, vector<1x16xf32>,
      %get3A_135 = vector.shape_cast %get3A_134 : vector<1x16xf32> to vector<16xf32>
      %get3A_136 = arith.index_cast %scan3A_98 : i32 to index
      %get3A_137 = arith.constant 32 : index
      %get3A_138 = tpu.vector_load %arg16[%get3A_136, %get3A_137] {strides = array<i32>} : memref<80x128xf32, #tpu.memory_space<vmem>>, vector<1x16xf32>,
      %get3A_139 = vector.shape_cast %get3A_138 : vector<1x16xf32> to vector<16xf32>
      %add3A_140 = arith.addf %get3A_135, %get3A_139 : vector<16xf32>
      %max3A_141 = arith.constant 0.000000e+00 : f32
      %max3A_142 = vector.broadcast %max3A_141 : f32 to vector<16xf32>
      %max3A_143 = arith.maximumf %add3A_140, %max3A_142 : vector<16xf32>
      %swap3A_144 = arith.index_cast %scan3A_98 : i32 to index
      %swap3A_145 = arith.constant 32 : index
      %swap3A_146 = tpu.vector_load %arg14[%swap3A_144, %swap3A_145] {strides = array<i32>} : memref<80x128xf32, #tpu.memory_space<vmem>>, vector<1x16xf32>,
      %swap3A_147 = vector.shape_cast %swap3A_146 : vector<1x16xf32> to vector<16xf32>
      %swap3A_148 = vector.shape_cast %max3A_143 : vector<16xf32> to vector<1x16xf32>
      tpu.vector_store %arg14[%swap3A_144, %swap3A_145], %swap3A_148 {strides = array<i32>} : memref<80x128xf32, #tpu.memory_space<vmem>>, vector<1x16xf32>,
      %get3A_149 = arith.index_cast %scan3A_98 : i32 to index
      %get3A_150 = arith.constant 48 : index
      %get3A_151 = tpu.vector_load %arg14[%get3A_149, %get3A_150] {strides = array<i32>} : memref<80x128xf32, #tpu.memory_space<vmem>>, vector<1x16xf32>,
      %get3A_152 = vector.shape_cast %get3A_151 : vector<1x16xf32> to vector<16xf32>
      %get3A_153 = arith.index_cast %scan3A_98 : i32 to index
      %get3A_154 = arith.constant 48 : index
      %get3A_155 = tpu.vector_load %arg16[%get3A_153, %get3A_154] {strides = array<i32>} : memref<80x128xf32, #tpu.memory_space<vmem>>, vector<1x16xf32>,
      %get3A_156 = vector.shape_cast %get3A_155 : vector<1x16xf32> to vector<16xf32>
      %add3A_157 = arith.addf %get3A_152, %get3A_156 : vector<16xf32>
      %max3A_158 = arith.constant 0.000000e+00 : f32
      %max3A_159 = vector.broadcast %max3A_158 : f32 to vector<16xf32>
      %max3A_160 = arith.maximumf %add3A_157, %max3A_159 : vector<16xf32>
      %swap3A_161 = arith.index_cast %scan3A_98 : i32 to index
      %swap3A_162 = arith.constant 48 : index
      %swap3A_163 = tpu.vector_load %arg14[%swap3A_161, %swap3A_162] {strides = array<i32>} : memref<80x128xf32, #tpu.memory_space<vmem>>, vector<1x16xf32>,
      %swap3A_164 = vector.shape_cast %swap3A_163 : vector<1x16xf32> to vector<16xf32>
      %swap3A_165 = vector.shape_cast %max3A_160 : vector<16xf32> to vector<1x16xf32>
      tpu.vector_store %arg14[%swap3A_161, %swap3A_162], %swap3A_165 {strides = array<i32>} : memref<80x128xf32, #tpu.memory_space<vmem>>, vector<1x16xf32>,
      %get3A_166 = arith.index_cast %scan3A_98 : i32 to index
      %get3A_167 = arith.constant 64 : index
      %get3A_168 = tpu.vector_load %arg14[%get3A_166, %get3A_167] {strides = array<i32>} : memref<80x128xf32, #tpu.memory_space<vmem>>, vector<1x16xf32>,
      %get3A_169 = vector.shape_cast %get3A_168 : vector<1x16xf32> to vector<16xf32>
      %get3A_170 = arith.index_cast %scan3A_98 : i32 to index
      %get3A_171 = arith.constant 64 : index
      %get3A_172 = tpu.vector_load %arg16[%get3A_170, %get3A_171] {strides = array<i32>} : memref<80x128xf32, #tpu.memory_space<vmem>>, vector<1x16xf32>,
      %get3A_173 = vector.shape_cast %get3A_172 : vector<1x16xf32> to vector<16xf32>
      %add3A_174 = arith.addf %get3A_169, %get3A_173 : vector<16xf32>
      %max3A_175 = arith.constant 0.000000e+00 : f32
      %max3A_176 = vector.broadcast %max3A_175 : f32 to vector<16xf32>
      %max3A_177 = arith.maximumf %add3A_174, %max3A_176 : vector<16xf32>
      %swap3A_178 = arith.index_cast %scan3A_98 : i32 to index
      %swap3A_179 = arith.constant 64 : index
      %swap3A_180 = tpu.vector_load %arg14[%swap3A_178, %swap3A_179] {strides = array<i32>} : memref<80x128xf32, #tpu.memory_space<vmem>>, vector<1x16xf32>,
      %swap3A_181 = vector.shape_cast %swap3A_180 : vector<1x16xf32> to vector<16xf32>
      %swap3A_182 = vector.shape_cast %max3A_177 : vector<16xf32> to vector<1x16xf32>
      tpu.vector_store %arg14[%swap3A_178, %swap3A_179], %swap3A_182 {strides = array<i32>} : memref<80x128xf32, #tpu.memory_space<vmem>>, vector<1x16xf32>,
      %get3A_183 = arith.index_cast %scan3A_98 : i32 to index
      %get3A_184 = arith.constant 80 : index
      %get3A_185 = tpu.vector_load %arg14[%get3A_183, %get3A_184] {strides = array<i32>} : memref<80x128xf32, #tpu.memory_space<vmem>>, vector<1x16xf32>,
      %get3A_186 = vector.shape_cast %get3A_185 : vector<1x16xf32> to vector<16xf32>
      %get3A_187 = arith.index_cast %scan3A_98 : i32 to index
      %get3A_188 = arith.constant 80 : index
      %get3A_189 = tpu.vector_load %arg16[%get3A_187, %get3A_188] {strides = array<i32>} : memref<80x128xf32, #tpu.memory_space<vmem>>, vector<1x16xf32>,
      %get3A_190 = vector.shape_cast %get3A_189 : vector<1x16xf32> to vector<16xf32>
      %add3A_191 = arith.addf %get3A_186, %get3A_190 : vector<16xf32>
      %max3A_192 = arith.constant 0.000000e+00 : f32
      %max3A_193 = vector.broadcast %max3A_192 : f32 to vector<16xf32>
      %max3A_194 = arith.maximumf %add3A_191, %max3A_193 : vector<16xf32>
      %swap3A_195 = arith.index_cast %scan3A_98 : i32 to index
      %swap3A_196 = arith.constant 80 : index
      %swap3A_197 = tpu.vector_load %arg14[%swap3A_195, %swap3A_196] {strides = array<i32>} : memref<80x128xf32, #tpu.memory_space<vmem>>, vector<1x16xf32>,
      %swap3A_198 = vector.shape_cast %swap3A_197 : vector<1x16xf32> to vector<16xf32>
      %swap3A_199 = vector.shape_cast %max3A_194 : vector<16xf32> to vector<1x16xf32>
      tpu.vector_store %arg14[%swap3A_195, %swap3A_196], %swap3A_199 {strides = array<i32>} : memref<80x128xf32, #tpu.memory_space<vmem>>, vector<1x16xf32>,
      %get3A_200 = arith.index_cast %scan3A_98 : i32 to index
      %get3A_201 = arith.constant 96 : index
      %get3A_202 = tpu.vector_load %arg14[%get3A_200, %get3A_201] {strides = array<i32>} : memref<80x128xf32, #tpu.memory_space<vmem>>, vector<1x16xf32>,
      %get3A_203 = vector.shape_cast %get3A_202 : vector<1x16xf32> to vector<16xf32>
      %get3A_204 = arith.index_cast %scan3A_98 : i32 to index
      %get3A_205 = arith.constant 96 : index
      %get3A_206 = tpu.vector_load %arg16[%get3A_204, %get3A_205] {strides = array<i32>} : memref<80x128xf32, #tpu.memory_space<vmem>>, vector<1x16xf32>,
      %get3A_207 = vector.shape_cast %get3A_206 : vector<1x16xf32> to vector<16xf32>
      %add3A_208 = arith.addf %get3A_203, %get3A_207 : vector<16xf32>
      %max3A_209 = arith.constant 0.000000e+00 : f32
      %max3A_210 = vector.broadcast %max3A_209 : f32 to vector<16xf32>
      %max3A_211 = arith.maximumf %add3A_208, %max3A_210 : vector<16xf32>
      %swap3A_212 = arith.index_cast %scan3A_98 : i32 to index
      %swap3A_213 = arith.constant 96 : index
      %swap3A_214 = tpu.vector_load %arg14[%swap3A_212, %swap3A_213] {strides = array<i32>} : memref<80x128xf32, #tpu.memory_space<vmem>>, vector<1x16xf32>,
      %swap3A_215 = vector.shape_cast %swap3A_214 : vector<1x16xf32> to vector<16xf32>
      %swap3A_216 = vector.shape_cast %max3A_211 : vector<16xf32> to vector<1x16xf32>
      tpu.vector_store %arg14[%swap3A_212, %swap3A_213], %swap3A_216 {strides = array<i32>} : memref<80x128xf32, #tpu.memory_space<vmem>>, vector<1x16xf32>,
      %get3A_217 = arith.index_cast %scan3A_98 : i32 to index
      %get3A_218 = arith.constant 112 : index
      %get3A_219 = tpu.vector_load %arg14[%get3A_217, %get3A_218] {strides = array<i32>} : memref<80x128xf32, #tpu.memory_space<vmem>>, vector<1x16xf32>,
      %get3A_220 = vector.shape_cast %get3A_219 : vector<1x16xf32> to vector<16xf32>
      %get3A_221 = arith.index_cast %scan3A_98 : i32 to index
      %get3A_222 = arith.constant 112 : index
      %get3A_223 = tpu.vector_load %arg16[%get3A_221, %get3A_222] {strides = array<i32>} : memref<80x128xf32, #tpu.memory_space<vmem>>, vector<1x16xf32>,
      %get3A_224 = vector.shape_cast %get3A_223 : vector<1x16xf32> to vector<16xf32>
      %add3A_225 = arith.addf %get3A_220, %get3A_224 : vector<16xf32>
      %max3A_226 = arith.constant 0.000000e+00 : f32
      %max3A_227 = vector.broadcast %max3A_226 : f32 to vector<16xf32>
      %max3A_228 = arith.maximumf %add3A_225, %max3A_227 : vector<16xf32>
      %swap3A_229 = arith.index_cast %scan3A_98 : i32 to index
      %swap3A_230 = arith.constant 112 : index
      %swap3A_231 = tpu.vector_load %arg14[%swap3A_229, %swap3A_230] {strides = array<i32>} : memref<80x128xf32, #tpu.memory_space<vmem>>, vector<1x16xf32>,
      %swap3A_232 = vector.shape_cast %swap3A_231 : vector<1x16xf32> to vector<16xf32>
      %swap3A_233 = vector.shape_cast %max3A_228 : vector<16xf32> to vector<1x16xf32>
      tpu.vector_store %arg14[%swap3A_229, %swap3A_230], %swap3A_233 {strides = array<i32>} : memref<80x128xf32, #tpu.memory_space<vmem>>, vector<1x16xf32>,
    }
    %scan3A_84 = arith.constant 80 : i32
    "tpu.region"() ({
      %run_scoped3A = tpu.sem_alloc : memref<!tpu.dma_semaphore, #tpu.memory_space<semaphore_mem>>
      %dma_start3A_98 = arith.constant 0 : i32
      %dma_start3A_99 = arith.constant 0 : i32
      %dma_start3A_100 = tpu.memref_slice %arg18[%dma_start3A_98, %dma_start3A_99] : memref<10000x128xf32, #tpu.memory_space<vmem_shared>> -> memref<10000x128xf32, #tpu.memory_space<vmem_shared>>
      tpu.enqueue_indirect_dma source(%arg14 : memref<80x128xf32, #tpu.memory_space<vmem>>) target(%dma_start3A_100 : memref<10000x128xf32, #tpu.memory_space<vmem_shared>>) offsets(%arg12 : memref<80xi32, #tpu.memory_space<vmem>>) semaphore(%run_scoped3A : memref<!tpu.dma_semaphore, #tpu.memory_space<semaphore_mem>>) {add = true}
      %dma_wait3A_101 = arith.constant 0 : i32
      %dma_wait3A_102 = arith.constant 0 : i32
      %dma_wait3A_103 = tpu.memref_slice %arg18[%dma_wait3A_101, %dma_wait3A_102] : memref<10000x128xf32, #tpu.memory_space<vmem_shared>> -> memref<10000x128xf32, #tpu.memory_space<vmem_shared>>
      tpu.wait_indirect_dma semaphore(%run_scoped3A : memref<!tpu.dma_semaphore, #tpu.memory_space<semaphore_mem>>) src(%arg14 : memref<80x128xf32, #tpu.memory_space<vmem>>) dst(%dma_wait3A_103 : memref<10000x128xf32, #tpu.memory_space<vmem_shared>>)
      tpu.yield
    }) : () -> ()
    %barrier3A_85 = arith.constant 0 : index
    tpu.barrier barrier_id(%barrier3A_85)
    %mul3A_86 = arith.constant 624 : i32
    %mul3A_87 = arith.muli %arg1, %mul3A_86 : i32
    %mul3A_88 = arith.constant 10000 : i32
    %mul3A_89 = arith.muli %arg0, %mul3A_88 : i32
    %mul3A_90 = arith.constant 624 : i32
    %mul3A_91 = arith.muli %arg1, %mul3A_90 : i32
    %add3A_92 = arith.addi %mul3A_89, %mul3A_91 : i32
    "tpu.region"() ({
      %run_scoped3A = tpu.sem_alloc : memref<!tpu.dma_semaphore, #tpu.memory_space<semaphore_mem>>
      %dma_start3A_98 = arith.constant 0 : i32
      %dma_start3A_99 = tpu.memref_slice %arg7[%add3A_92, %dma_start3A_98] : memref<20000x128xf32, #tpu.memory_space<hbm>> -> memref<624x128xf32, #tpu.memory_space<hbm>>
      %dma_start3A_100 = arith.constant 0 : i32
      %dma_start3A_101 = tpu.memref_slice %arg18[%mul3A_87, %dma_start3A_100] : memref<10000x128xf32, #tpu.memory_space<vmem_shared>> -> memref<624x128xf32, #tpu.memory_space<vmem_shared>>
      tpu.enqueue_dma source(%dma_start3A_101 : memref<624x128xf32, #tpu.memory_space<vmem_shared>>) target(%dma_start3A_99 : memref<624x128xf32, #tpu.memory_space<hbm>>) target_semaphore(%run_scoped3A : memref<!tpu.dma_semaphore, #tpu.memory_space<semaphore_mem>>)
      %dma_wait3A_102 = arith.constant 0 : i32
      %dma_wait3A_103 = tpu.memref_slice %arg7[%add3A_92, %dma_wait3A_102] : memref<20000x128xf32, #tpu.memory_space<hbm>> -> memref<624x128xf32, #tpu.memory_space<hbm>>
      %dma_wait3A_104 = arith.constant 0 : i32
      %dma_wait3A_105 = tpu.memref_slice %arg18[%mul3A_87, %dma_wait3A_104] : memref<10000x128xf32, #tpu.memory_space<vmem_shared>> -> memref<624x128xf32, #tpu.memory_space<vmem_shared>>
      tpu.wait_dma2 semaphore(%run_scoped3A : memref<!tpu.dma_semaphore, #tpu.memory_space<semaphore_mem>>) src(%dma_wait3A_105 : memref<624x128xf32, #tpu.memory_space<vmem_shared>>) dst(%dma_wait3A_103 : memref<624x128xf32, #tpu.memory_space<hbm>>)
      tpu.yield
    }) : () -> ()
    %eq3A_93 = arith.constant 0 : i32
    %eq3A_94 = arith.cmpi eq, %arg1, %eq3A_93 : i32
    %convert_element_type3A_95 = arith.extui %eq3A_94 : i1 to i32
    %cond3A_96 = arith.constant 0 : i32
    %cond3A_97 = arith.cmpi ne, %convert_element_type3A_95, %cond3A_96 : i32
    scf.if %cond3A_97 {
      %mul3A_98 = arith.constant 10000 : i32
      %mul3A_99 = arith.muli %arg0, %mul3A_98 : i32
      %add3A_100 = arith.constant 9984 : i32
      %add3A_101 = arith.addi %mul3A_99, %add3A_100 : i32
      "tpu.region"() ({
        %run_scoped3A = tpu.sem_alloc : memref<!tpu.dma_semaphore, #tpu.memory_space<semaphore_mem>>
        %dma_start3A_102 = arith.constant 0 : i32
        %dma_start3A_103 = tpu.memref_slice %arg7[%add3A_101, %dma_start3A_102] : memref<20000x128xf32, #tpu.memory_space<hbm>> -> memref<16x128xf32, #tpu.memory_space<hbm>>
        %dma_start3A_104 = arith.constant 9984 : i32
        %dma_start3A_105 = arith.constant 0 : i32
        %dma_start3A_106 = tpu.memref_slice %arg18[%dma_start3A_104, %dma_start3A_105] : memref<10000x128xf32, #tpu.memory_space<vmem_shared>> -> memref<16x128xf32, #tpu.memory_space<vmem_shared>>
        tpu.enqueue_dma source(%dma_start3A_106 : memref<16x128xf32, #tpu.memory_space<vmem_shared>>) target(%dma_start3A_103 : memref<16x128xf32, #tpu.memory_space<hbm>>) target_semaphore(%run_scoped3A : memref<!tpu.dma_semaphore, #tpu.memory_space<semaphore_mem>>)
        %dma_wait3A_107 = arith.constant 0 : i32
        %dma_wait3A_108 = tpu.memref_slice %arg7[%add3A_101, %dma_wait3A_107] : memref<20000x128xf32, #tpu.memory_space<hbm>> -> memref<16x128xf32, #tpu.memory_space<hbm>>
        %dma_wait3A_109 = arith.constant 9984 : i32
        %dma_wait3A_110 = arith.constant 0 : i32
        %dma_wait3A_111 = tpu.memref_slice %arg18[%dma_wait3A_109, %dma_wait3A_110] : memref<10000x128xf32, #tpu.memory_space<vmem_shared>> -> memref<16x128xf32, #tpu.memory_space<vmem_shared>>
        tpu.wait_dma2 semaphore(%run_scoped3A : memref<!tpu.dma_semaphore, #tpu.memory_space<semaphore_mem>>) src(%dma_wait3A_111 : memref<16x128xf32, #tpu.memory_space<vmem_shared>>) dst(%dma_wait3A_108 : memref<16x128xf32, #tpu.memory_space<hbm>>)
        tpu.yield
      }) : () -> ()
    } else {
    }
    return
  }
}

module attributes {stable_mosaic.version = 14 : i64} {
  func.func @_enc_body(%arg0: i32, %arg1: memref<2000x128xf32, #tpu.memory_space<vmem>>, %arg2: memref<2000x3xf32, #tpu.memory_space<vmem>>, %arg3: memref<128x128xf32, #tpu.memory_space<vmem>>, %arg4: memref<3x128xf32, #tpu.memory_space<vmem>>, %arg5: memref<1x128xf32, #tpu.memory_space<vmem>>, %arg6: memref<128x128xf32, #tpu.memory_space<vmem>>, %arg7: memref<128x128xf32, #tpu.memory_space<vmem>>, %arg8: memref<1x128xf32, #tpu.memory_space<vmem>>, %arg9: memref<2000x128xf32, #tpu.memory_space<vmem>>, %arg10: memref<2000x128xf32, #tpu.memory_space<vmem>>, %arg11: memref<2000x128xf32, #tpu.memory_space<vmem>>) attributes {dimension_semantics = [#tpu.dimension_semantics<arbitrary>], iteration_bounds = array<i64: 5>, scalar_prefetch = 0 : i64, scratch_operands = 0 : i64, tpu.core_type = #tpu.core_type<tc>, window_params = [{transform_indices = @transform_0, window_bounds = array<i64: 2000, 128>}, {transform_indices = @transform_1, window_bounds = array<i64: 2000, 3>}, {pipeline_mode = #tpu.pipeline_mode<synchronous>, transform_indices = @transform_2, window_bounds = array<i64: 128, 128>}, {pipeline_mode = #tpu.pipeline_mode<synchronous>, transform_indices = @transform_3, window_bounds = array<i64: 3, 128>}, {pipeline_mode = #tpu.pipeline_mode<synchronous>, transform_indices = @transform_4, window_bounds = array<i64: 1, 128>}, {pipeline_mode = #tpu.pipeline_mode<synchronous>, transform_indices = @transform_5, window_bounds = array<i64: 128, 128>}, {pipeline_mode = #tpu.pipeline_mode<synchronous>, transform_indices = @transform_6, window_bounds = array<i64: 128, 128>}, {pipeline_mode = #tpu.pipeline_mode<synchronous>, transform_indices = @transform_7, window_bounds = array<i64: 1, 128>}, {transform_indices = @transform_8, window_bounds = array<i64: 2000, 128>}, {transform_indices = @transform_9, window_bounds = array<i64: 2000, 128>}, {transform_indices = @transform_10, window_bounds = array<i64: 2000, 128>}]} {
    %get3A = arith.constant 0 : index
    %get3A_0 = arith.constant 0 : index
    %get3A_1 = vector.load %arg1[%get3A, %get3A_0] : memref<2000x128xf32, #tpu.memory_space<vmem>>, vector<2000x128xf32>
    %get3A_2 = arith.constant 0 : index
    %get3A_3 = arith.constant 0 : index
    %get3A_4 = vector.load %arg3[%get3A_2, %get3A_3] : memref<128x128xf32, #tpu.memory_space<vmem>>, vector<128x128xf32>
    %dot_general3A = arith.constant dense<0.000000e+00> : vector<2000x128xf32>
    %dot_general3A_5 = tpu.matmul %get3A_1, %get3A_4, %dot_general3A {dimension_numbers = #tpu.dot_dimension_numbers<[1], [0], [0], [1], [0, 0, 1, 1], [], []>, transpose_lhs_hint = false} : vector<2000x128xf32>, vector<128x128xf32>, vector<2000x128xf32> -> vector<2000x128xf32>
    %get3A_6 = arith.constant 0 : index
    %get3A_7 = arith.constant 0 : index
    %get3A_8 = vector.load %arg2[%get3A_6, %get3A_7] : memref<2000x3xf32, #tpu.memory_space<vmem>>, vector<2000x3xf32>
    %get3A_9 = arith.constant 0 : index
    %get3A_10 = arith.constant 0 : index
    %get3A_11 = vector.load %arg4[%get3A_9, %get3A_10] : memref<3x128xf32, #tpu.memory_space<vmem>>, vector<3x128xf32>
    %dot_general3A_12 = arith.constant dense<0.000000e+00> : vector<2000x128xf32>
    %dot_general3A_13 = tpu.matmul %get3A_8, %get3A_11, %dot_general3A_12 {dimension_numbers = #tpu.dot_dimension_numbers<[1], [0], [0], [1], [0, 0, 1, 1], [], []>, transpose_lhs_hint = false} : vector<2000x3xf32>, vector<3x128xf32>, vector<2000x128xf32> -> vector<2000x128xf32>
    %add3A = arith.addf %dot_general3A_5, %dot_general3A_13 : vector<2000x128xf32>
    %get3A_14 = arith.constant 0 : index
    %get3A_15 = arith.constant 0 : index
    %get3A_16 = vector.load %arg5[%get3A_14, %get3A_15] : memref<1x128xf32, #tpu.memory_space<vmem>>, vector<1x128xf32>
    %add3A_17 = vector.broadcast %get3A_16 : vector<1x128xf32> to vector<2000x128xf32>
    %add3A_18 = arith.addf %add3A, %add3A_17 : vector<2000x128xf32>
    %max3A = arith.constant 0.000000e+00 : f32
    %max3A_19 = vector.broadcast %max3A : f32 to vector<2000x128xf32>
    %max3A_20 = arith.maximumf %add3A_18, %max3A_19 : vector<2000x128xf32>
    %swap3A = arith.constant 0 : index
    %swap3A_21 = arith.constant 0 : index
    %swap3A_22 = vector.load %arg9[%swap3A, %swap3A_21] : memref<2000x128xf32, #tpu.memory_space<vmem>>, vector<2000x128xf32>
    tpu.vector_store %arg9[%swap3A, %swap3A_21], %max3A_20 {strides = array<i32>} : memref<2000x128xf32, #tpu.memory_space<vmem>>, vector<2000x128xf32>,
    %get3A_23 = arith.constant 0 : index
    %get3A_24 = arith.constant 0 : index
    %get3A_25 = vector.load %arg6[%get3A_23, %get3A_24] : memref<128x128xf32, #tpu.memory_space<vmem>>, vector<128x128xf32>
    %dot_general3A_26 = arith.constant dense<0.000000e+00> : vector<2000x128xf32>
    %dot_general3A_27 = tpu.matmul %max3A_20, %get3A_25, %dot_general3A_26 {dimension_numbers = #tpu.dot_dimension_numbers<[1], [0], [0], [1], [0, 0, 1, 1], [], []>, transpose_lhs_hint = false} : vector<2000x128xf32>, vector<128x128xf32>, vector<2000x128xf32> -> vector<2000x128xf32>
    %swap3A_28 = arith.constant 0 : index
    %swap3A_29 = arith.constant 0 : index
    %swap3A_30 = vector.load %arg10[%swap3A_28, %swap3A_29] : memref<2000x128xf32, #tpu.memory_space<vmem>>, vector<2000x128xf32>
    tpu.vector_store %arg10[%swap3A_28, %swap3A_29], %dot_general3A_27 {strides = array<i32>} : memref<2000x128xf32, #tpu.memory_space<vmem>>, vector<2000x128xf32>,
    %get3A_31 = arith.constant 0 : index
    %get3A_32 = arith.constant 0 : index
    %get3A_33 = vector.load %arg7[%get3A_31, %get3A_32] : memref<128x128xf32, #tpu.memory_space<vmem>>, vector<128x128xf32>
    %dot_general3A_34 = arith.constant dense<0.000000e+00> : vector<2000x128xf32>
    %dot_general3A_35 = tpu.matmul %max3A_20, %get3A_33, %dot_general3A_34 {dimension_numbers = #tpu.dot_dimension_numbers<[1], [0], [0], [1], [0, 0, 1, 1], [], []>, transpose_lhs_hint = false} : vector<2000x128xf32>, vector<128x128xf32>, vector<2000x128xf32> -> vector<2000x128xf32>
    %get3A_36 = arith.constant 0 : index
    %get3A_37 = arith.constant 0 : index
    %get3A_38 = vector.load %arg8[%get3A_36, %get3A_37] : memref<1x128xf32, #tpu.memory_space<vmem>>, vector<1x128xf32>
    %add3A_39 = vector.broadcast %get3A_38 : vector<1x128xf32> to vector<2000x128xf32>
    %add3A_40 = arith.addf %dot_general3A_35, %add3A_39 : vector<2000x128xf32>
    %swap3A_41 = arith.constant 0 : index
    %swap3A_42 = arith.constant 0 : index
    %swap3A_43 = vector.load %arg11[%swap3A_41, %swap3A_42] : memref<2000x128xf32, #tpu.memory_space<vmem>>, vector<2000x128xf32>
    tpu.vector_store %arg11[%swap3A_41, %swap3A_42], %add3A_40 {strides = array<i32>} : memref<2000x128xf32, #tpu.memory_space<vmem>>, vector<2000x128xf32>,
    return
  }
  func.func @transform_0(%arg0: i32) -> (i32, i32) {
    %c0_i32 = arith.constant 0 : i32
    %c0_i32_0 = arith.constant 0 : i32
    return %arg0, %c0_i32 : i32, i32
  }
  func.func @transform_1(%arg0: i32) -> (i32, i32) {
    %c0_i32 = arith.constant 0 : i32
    %c0_i32_0 = arith.constant 0 : i32
    return %arg0, %c0_i32 : i32, i32
  }
  func.func @transform_2(%arg0: i32) -> (i32, i32) {
    %c0_i32 = arith.constant 0 : i32
    %c0_i32_0 = arith.constant 0 : i32
    %c0_i32_1 = arith.constant 0 : i32
    return %c0_i32, %c0_i32_0 : i32, i32
  }
  func.func @transform_3(%arg0: i32) -> (i32, i32) {
    %c0_i32 = arith.constant 0 : i32
    %c0_i32_0 = arith.constant 0 : i32
    %c0_i32_1 = arith.constant 0 : i32
    return %c0_i32, %c0_i32_0 : i32, i32
  }
  func.func @transform_4(%arg0: i32) -> (i32, i32) {
    %c0_i32 = arith.constant 0 : i32
    %c0_i32_0 = arith.constant 0 : i32
    %c0_i32_1 = arith.constant 0 : i32
    return %c0_i32, %c0_i32_0 : i32, i32
  }
  func.func @transform_5(%arg0: i32) -> (i32, i32) {
    %c0_i32 = arith.constant 0 : i32
    %c0_i32_0 = arith.constant 0 : i32
    %c0_i32_1 = arith.constant 0 : i32
    return %c0_i32, %c0_i32_0 : i32, i32
  }
  func.func @transform_6(%arg0: i32) -> (i32, i32) {
    %c0_i32 = arith.constant 0 : i32
    %c0_i32_0 = arith.constant 0 : i32
    %c0_i32_1 = arith.constant 0 : i32
    return %c0_i32, %c0_i32_0 : i32, i32
  }
  func.func @transform_7(%arg0: i32) -> (i32, i32) {
    %c0_i32 = arith.constant 0 : i32
    %c0_i32_0 = arith.constant 0 : i32
    %c0_i32_1 = arith.constant 0 : i32
    return %c0_i32, %c0_i32_0 : i32, i32
  }
  func.func @transform_8(%arg0: i32) -> (i32, i32) {
    %c0_i32 = arith.constant 0 : i32
    %c0_i32_0 = arith.constant 0 : i32
    return %arg0, %c0_i32 : i32, i32
  }
  func.func @transform_9(%arg0: i32) -> (i32, i32) {
    %c0_i32 = arith.constant 0 : i32
    %c0_i32_0 = arith.constant 0 : i32
    return %arg0, %c0_i32 : i32, i32
  }
  func.func @transform_10(%arg0: i32) -> (i32, i32) {
    %c0_i32 = arith.constant 0 : i32
    %c0_i32_0 = arith.constant 0 : i32
    return %arg0, %c0_i32 : i32, i32
  }
}

module attributes {stable_mosaic.version = 14 : i64} {
  func.func @_dec_body(%arg0: i32, %arg1: memref<1x500x128xf32, #tpu.memory_space<vmem>>, %arg2: memref<1x500x128xf32, #tpu.memory_space<vmem>>, %arg3: memref<1x500x128xf32, #tpu.memory_space<vmem>>, %arg4: memref<128x128xf32, #tpu.memory_space<vmem>>, %arg5: memref<128x128xf32, #tpu.memory_space<vmem>>, %arg6: memref<1x128xf32, #tpu.memory_space<vmem>>, %arg7: memref<128x128xf32, #tpu.memory_space<vmem>>, %arg8: memref<1x128xf32, #tpu.memory_space<vmem>>, %arg9: memref<128x64xf32, #tpu.memory_space<vmem>>, %arg10: memref<1x64xf32, #tpu.memory_space<vmem>>, %arg11: memref<1x8x64xf32, #tpu.memory_space<vmem>>, %arg12: memref<8x64xf32, #tpu.memory_space<vmem>>) attributes {dimension_semantics = [#tpu.dimension_semantics<arbitrary>], iteration_bounds = array<i64: 20>, scalar_prefetch = 0 : i64, scratch_operands = 0 : i64, tpu.core_type = #tpu.core_type<tc>, window_params = [{transform_indices = @transform_0, window_bounds = array<i64: 1, 500, 128>}, {transform_indices = @transform_1, window_bounds = array<i64: 1, 500, 128>}, {transform_indices = @transform_2, window_bounds = array<i64: 1, 500, 128>}, {pipeline_mode = #tpu.pipeline_mode<synchronous>, transform_indices = @transform_3, window_bounds = array<i64: 128, 128>}, {pipeline_mode = #tpu.pipeline_mode<synchronous>, transform_indices = @transform_4, window_bounds = array<i64: 128, 128>}, {pipeline_mode = #tpu.pipeline_mode<synchronous>, transform_indices = @transform_5, window_bounds = array<i64: 1, 128>}, {pipeline_mode = #tpu.pipeline_mode<synchronous>, transform_indices = @transform_6, window_bounds = array<i64: 128, 128>}, {pipeline_mode = #tpu.pipeline_mode<synchronous>, transform_indices = @transform_7, window_bounds = array<i64: 1, 128>}, {pipeline_mode = #tpu.pipeline_mode<synchronous>, transform_indices = @transform_8, window_bounds = array<i64: 128, 64>}, {pipeline_mode = #tpu.pipeline_mode<synchronous>, transform_indices = @transform_9, window_bounds = array<i64: 1, 64>}, {transform_indices = @transform_10, window_bounds = array<i64: 1, 8, 64>}, {pipeline_mode = #tpu.pipeline_mode<synchronous>, transform_indices = @transform_11, window_bounds = array<i64: 8, 64>}]} {
    %get3A = arith.constant 0 : index
    %get3A_0 = arith.constant 0 : index
    %get3A_1 = arith.constant 0 : index
    %get3A_2 = vector.load %arg2[%get3A, %get3A_0, %get3A_1] : memref<1x500x128xf32, #tpu.memory_space<vmem>>, vector<1x500x128xf32>
    %get3A_3 = arith.constant 0 : index
    %get3A_4 = arith.constant 0 : index
    %get3A_5 = arith.constant 0 : index
    %get3A_6 = vector.load %arg3[%get3A_3, %get3A_4, %get3A_5] : memref<1x500x128xf32, #tpu.memory_space<vmem>>, vector<1x500x128xf32>
    %add3A = arith.addf %get3A_2, %get3A_6 : vector<1x500x128xf32>
    %reshape3A = vector.shape_cast %add3A : vector<1x500x128xf32> to vector<500x128xf32>
    %get3A_7 = arith.constant 0 : index
    %get3A_8 = arith.constant 0 : index
    %get3A_9 = arith.constant 0 : index
    %get3A_10 = vector.load %arg1[%get3A_7, %get3A_8, %get3A_9] : memref<1x500x128xf32, #tpu.memory_space<vmem>>, vector<1x500x128xf32>
    %reshape3A_11 = vector.shape_cast %get3A_10 : vector<1x500x128xf32> to vector<500x128xf32>
    %get3A_12 = arith.constant 0 : index
    %get3A_13 = arith.constant 0 : index
    %get3A_14 = vector.load %arg4[%get3A_12, %get3A_13] : memref<128x128xf32, #tpu.memory_space<vmem>>, vector<128x128xf32>
    %dot_general3A = arith.constant dense<0.000000e+00> : vector<500x128xf32>
    %dot_general3A_15 = tpu.matmul %reshape3A_11, %get3A_14, %dot_general3A {dimension_numbers = #tpu.dot_dimension_numbers<[1], [0], [0], [1], [0, 0, 1, 1], [], []>, transpose_lhs_hint = false} : vector<500x128xf32>, vector<128x128xf32>, vector<500x128xf32> -> vector<500x128xf32>
    %get3A_16 = arith.constant 0 : index
    %get3A_17 = arith.constant 0 : index
    %get3A_18 = vector.load %arg5[%get3A_16, %get3A_17] : memref<128x128xf32, #tpu.memory_space<vmem>>, vector<128x128xf32>
    %dot_general3A_19 = arith.constant dense<0.000000e+00> : vector<500x128xf32>
    %dot_general3A_20 = tpu.matmul %reshape3A, %get3A_18, %dot_general3A_19 {dimension_numbers = #tpu.dot_dimension_numbers<[1], [0], [0], [1], [0, 0, 1, 1], [], []>, transpose_lhs_hint = false} : vector<500x128xf32>, vector<128x128xf32>, vector<500x128xf32> -> vector<500x128xf32>
    %add3A_21 = arith.addf %dot_general3A_15, %dot_general3A_20 : vector<500x128xf32>
    %get3A_22 = arith.constant 0 : index
    %get3A_23 = arith.constant 0 : index
    %get3A_24 = vector.load %arg6[%get3A_22, %get3A_23] : memref<1x128xf32, #tpu.memory_space<vmem>>, vector<1x128xf32>
    %add3A_25 = vector.broadcast %get3A_24 : vector<1x128xf32> to vector<500x128xf32>
    %add3A_26 = arith.addf %add3A_21, %add3A_25 : vector<500x128xf32>
    %max3A = arith.constant 0.000000e+00 : f32
    %max3A_27 = vector.broadcast %max3A : f32 to vector<500x128xf32>
    %max3A_28 = arith.maximumf %add3A_26, %max3A_27 : vector<500x128xf32>
    %get3A_29 = arith.constant 0 : index
    %get3A_30 = arith.constant 0 : index
    %get3A_31 = vector.load %arg7[%get3A_29, %get3A_30] : memref<128x128xf32, #tpu.memory_space<vmem>>, vector<128x128xf32>
    %dot_general3A_32 = arith.constant dense<0.000000e+00> : vector<500x128xf32>
    %dot_general3A_33 = tpu.matmul %max3A_28, %get3A_31, %dot_general3A_32 {dimension_numbers = #tpu.dot_dimension_numbers<[1], [0], [0], [1], [0, 0, 1, 1], [], []>, transpose_lhs_hint = false} : vector<500x128xf32>, vector<128x128xf32>, vector<500x128xf32> -> vector<500x128xf32>
    %get3A_34 = arith.constant 0 : index
    %get3A_35 = arith.constant 0 : index
    %get3A_36 = vector.load %arg8[%get3A_34, %get3A_35] : memref<1x128xf32, #tpu.memory_space<vmem>>, vector<1x128xf32>
    %add3A_37 = vector.broadcast %get3A_36 : vector<1x128xf32> to vector<500x128xf32>
    %add3A_38 = arith.addf %dot_general3A_33, %add3A_37 : vector<500x128xf32>
    %max3A_39 = arith.constant 0.000000e+00 : f32
    %max3A_40 = vector.broadcast %max3A_39 : f32 to vector<500x128xf32>
    %max3A_41 = arith.maximumf %add3A_38, %max3A_40 : vector<500x128xf32>
    %get3A_42 = arith.constant 0 : index
    %get3A_43 = arith.constant 0 : index
    %get3A_44 = vector.load %arg9[%get3A_42, %get3A_43] : memref<128x64xf32, #tpu.memory_space<vmem>>, vector<128x64xf32>
    %dot_general3A_45 = arith.constant dense<0.000000e+00> : vector<500x64xf32>
    %dot_general3A_46 = tpu.matmul %max3A_41, %get3A_44, %dot_general3A_45 {dimension_numbers = #tpu.dot_dimension_numbers<[1], [0], [0], [1], [0, 0, 1, 1], [], []>, transpose_lhs_hint = false} : vector<500x128xf32>, vector<128x64xf32>, vector<500x64xf32> -> vector<500x64xf32>
    %get3A_47 = arith.constant 0 : index
    %get3A_48 = arith.constant 0 : index
    %get3A_49 = vector.load %arg10[%get3A_47, %get3A_48] : memref<1x64xf32, #tpu.memory_space<vmem>>, vector<1x64xf32>
    %add3A_50 = vector.broadcast %get3A_49 : vector<1x64xf32> to vector<500x64xf32>
    %add3A_51 = arith.addf %dot_general3A_46, %add3A_50 : vector<500x64xf32>
    %reduce_sum3A = arith.constant dense<0.000000e+00> : vector<64xf32>
    %reduce_sum3A_52 = vector.multi_reduction <add>, %add3A_51, %reduce_sum3A [0] : vector<500x64xf32> to vector<64xf32>
    %broadcast_in_dim3A = vector.shape_cast %reduce_sum3A_52 : vector<64xf32> to vector<1x64xf32>
    %mul3A = arith.constant 2.000000e-03 : f32
    %mul3A_53 = vector.broadcast %mul3A : f32 to vector<1x64xf32>
    %mul3A_54 = arith.mulf %broadcast_in_dim3A, %mul3A_53 : vector<1x64xf32>
    %eq3A = arith.constant 0 : i32
    %eq3A_55 = arith.cmpi eq, %arg0, %eq3A : i32
    %convert_element_type3A = arith.extui %eq3A_55 : i1 to i32
    %cond3A = arith.constant 0 : i32
    %cond3A_56 = arith.cmpi ne, %convert_element_type3A, %cond3A : i32
    scf.if %cond3A_56 {
      %broadcast_in_dim3A_70 = arith.constant 0.000000e+00 : f32
      %broadcast_in_dim3A_71 = vector.broadcast %broadcast_in_dim3A_70 : f32 to vector<8x64xf32>
      %swap3A_72 = arith.constant 0 : index
      %swap3A_73 = arith.constant 0 : index
      %swap3A_74 = vector.load %arg12[%swap3A_72, %swap3A_73] : memref<8x64xf32, #tpu.memory_space<vmem>>, vector<8x64xf32>
      tpu.vector_store %arg12[%swap3A_72, %swap3A_73], %broadcast_in_dim3A_71 {strides = array<i32>} : memref<8x64xf32, #tpu.memory_space<vmem>>, vector<8x64xf32>,
    } else {
    }
    %get3A_57 = arith.constant 0 : index
    %get3A_58 = arith.constant 0 : index
    %get3A_59 = vector.load %arg12[%get3A_57, %get3A_58] : memref<8x64xf32, #tpu.memory_space<vmem>>, vector<8x64xf32>
    %get3A_60 = arith.constant 0 : index
    %get3A_61 = arith.constant 0 : index
    %get3A_62 = arith.constant 0 : index
    %get3A_63 = vector.load %arg11[%get3A_60, %get3A_61, %get3A_62] : memref<1x8x64xf32, #tpu.memory_space<vmem>>, vector<1x8x64xf32>
    %reshape3A_64 = vector.shape_cast %get3A_63 : vector<1x8x64xf32> to vector<8x64xf32>
    %mul3A_65 = vector.broadcast %mul3A_54 : vector<1x64xf32> to vector<8x64xf32>
    %mul3A_66 = arith.mulf %reshape3A_64, %mul3A_65 : vector<8x64xf32>
    %add3A_67 = arith.addf %get3A_59, %mul3A_66 : vector<8x64xf32>
    %swap3A = arith.constant 0 : index
    %swap3A_68 = arith.constant 0 : index
    %swap3A_69 = vector.load %arg12[%swap3A, %swap3A_68] : memref<8x64xf32, #tpu.memory_space<vmem>>, vector<8x64xf32>
    tpu.vector_store %arg12[%swap3A, %swap3A_68], %add3A_67 {strides = array<i32>} : memref<8x64xf32, #tpu.memory_space<vmem>>, vector<8x64xf32>,
    return
  }
  func.func @transform_0(%arg0: i32) -> (i32, i32, i32) {
    %c0_i32 = arith.constant 0 : i32
    %c0_i32_0 = arith.constant 0 : i32
    %c0_i32_1 = arith.constant 0 : i32
    return %arg0, %c0_i32, %c0_i32_0 : i32, i32, i32
  }
  func.func @transform_1(%arg0: i32) -> (i32, i32, i32) {
    %c0_i32 = arith.constant 0 : i32
    %c0_i32_0 = arith.constant 0 : i32
    %c0_i32_1 = arith.constant 0 : i32
    return %arg0, %c0_i32, %c0_i32_0 : i32, i32, i32
  }
  func.func @transform_2(%arg0: i32) -> (i32, i32, i32) {
    %add3A = arith.constant 20 : i32
    %add3A_0 = arith.addi %arg0, %add3A : i32
    %c0_i32 = arith.constant 0 : i32
    %c0_i32_1 = arith.constant 0 : i32
    %c0_i32_2 = arith.constant 0 : i32
    return %add3A_0, %c0_i32, %c0_i32_1 : i32, i32, i32
  }
  func.func @transform_3(%arg0: i32) -> (i32, i32) {
    %c0_i32 = arith.constant 0 : i32
    %c0_i32_0 = arith.constant 0 : i32
    %c0_i32_1 = arith.constant 0 : i32
    return %c0_i32, %c0_i32_0 : i32, i32
  }
  func.func @transform_4(%arg0: i32) -> (i32, i32) {
    %c0_i32 = arith.constant 0 : i32
    %c0_i32_0 = arith.constant 0 : i32
    %c0_i32_1 = arith.constant 0 : i32
    return %c0_i32, %c0_i32_0 : i32, i32
  }
  func.func @transform_5(%arg0: i32) -> (i32, i32) {
    %c0_i32 = arith.constant 0 : i32
    %c0_i32_0 = arith.constant 0 : i32
    %c0_i32_1 = arith.constant 0 : i32
    return %c0_i32, %c0_i32_0 : i32, i32
  }
  func.func @transform_6(%arg0: i32) -> (i32, i32) {
    %c0_i32 = arith.constant 0 : i32
    %c0_i32_0 = arith.constant 0 : i32
    %c0_i32_1 = arith.constant 0 : i32
    return %c0_i32, %c0_i32_0 : i32, i32
  }
  func.func @transform_7(%arg0: i32) -> (i32, i32) {
    %c0_i32 = arith.constant 0 : i32
    %c0_i32_0 = arith.constant 0 : i32
    %c0_i32_1 = arith.constant 0 : i32
    return %c0_i32, %c0_i32_0 : i32, i32
  }
  func.func @transform_8(%arg0: i32) -> (i32, i32) {
    %c0_i32 = arith.constant 0 : i32
    %c0_i32_0 = arith.constant 0 : i32
    %c0_i32_1 = arith.constant 0 : i32
    return %c0_i32, %c0_i32_0 : i32, i32
  }
  func.func @transform_9(%arg0: i32) -> (i32, i32) {
    %c0_i32 = arith.constant 0 : i32
    %c0_i32_0 = arith.constant 0 : i32
    %c0_i32_1 = arith.constant 0 : i32
    return %c0_i32, %c0_i32_0 : i32, i32
  }
  func.func @transform_10(%arg0: i32) -> (i32, i32, i32) {
    %c0_i32 = arith.constant 0 : i32
    %c0_i32_0 = arith.constant 0 : i32
    %c0_i32_1 = arith.constant 0 : i32
    return %arg0, %c0_i32, %c0_i32_0 : i32, i32, i32
  }
  func.func @transform_11(%arg0: i32) -> (i32, i32) {
    %c0_i32 = arith.constant 0 : i32
    %c0_i32_0 = arith.constant 0 : i32
    %c0_i32_1 = arith.constant 0 : i32
    return %c0_i32, %c0_i32_0 : i32, i32
  }
}

</mosaic_0001>

<sc_bundles>
// kernel: kernel.5.cloned.1.call-start
scs
__scs_entry_jumppad:
0x0: {  	(pc) =	sbr.rel $0x88, $3  }
0x1: {  	(tag) =	ssettag $0x0;
	lr =	simm.s32 $0x1  }
0x2: {  	[smem:$0x3F93] =	sst lr;
	_ =	strace $0xD0000000  }
0x3: {  	_ = 	snop  }
0x4: {  	_ = 	snop  }
0x5: {  	_ = 	snop  }
0x6: {  	_ = 	snop  }
0x7: {  	_ = 	snop  }
__scs_overlays_trampoline_lowered:
0x8: {  	[smem:$0x3FA2] =	sst s0  }
0x9: {  	[smem:$0x3FA3] =	sst s1  }
0xa: {  	[smem:$0x3FA4] =	sst s2  }
0xb: {  	[smem:$0x3FA5] =	sst s3  }
0xc: {  	[smem:$0x3FA6] =	sst s4  }
0xd: {  	[smem:$0x3FA7] =	sst s5  }
0xe: {  	[smem:$0x3FA8] =	sst s6  }
0xf: {  	[smem:$0x3FA9] =	sst s7  }
0x10: {  	[smem:$0x3FAA] =	sst s8  }
0x11: {  	[smem:$0x3FAB] =	sst s9;
	s0 =	simm.s32 @!p0 $0x0  }
0x12: {  	s1 =	sld [smem:$0x3F91];
	s0 =	simm.s32 @p0 $0x1  }
0x13: {  	[smem:$0x3FAC] =	sst s0;
	s0 =	simm.s32 @!p1 $0x0  }
0x14: {  	s2 =	sld [smem:$0x3F90];
	s0 =	simm.s32 @p1 $0x1  }
0x15: {  	[smem:$0x3FAD] =	sst s0;
	s0 =	simm.s32 @!p2 $0x0  }
0x16: {  	s3 =	sld [smem:$0x3FDB];
	s0 =	simm.s32 @p2 $0x1  }
0x17: {  	s4 =	simm.s32 $0x1BF5;
	[smem:$0x3FAF] =	sst s0  }
0x18: {  	s0 =	sld [smem:$0x3F92];
	_ =	swait.ge [sflag:s4], $0x0  }
0x19: {  	s7 =	sld [smem:$0x3F93]  }
0x1a: {  	s8 =	sadd.s32 $0xFFFFE003, lr  }
0x1b: {  	s9 =	sadd.s32 $0xFFFFFEF7, lr;
	s5 =	simm.s32 $0xFFFFFFFF;
	p2 =	slt.u32 s8, $0xFFFFF086  }
0x1c: {  	p1 =	slt.u32 s9, $0xF7A;
	s5 =	simm.s32 @!p2 $0x0  }
0x1d: {  	s5 =	simm.s32 @p1 $0x1;
	p0 =	seq.s32 s7, s2  }
0x1e: {  	s7 =	smul.u32 @!p0 $0xF7A, s2;
	p2 =	seq.s32 @!p0 s5, $0x0  }
0x1f: {  	s9 =	smul.u32 $0xF7A, s1;
	s8 =	simm.s32 @!p0 $0x1BF5;
	p2 =	por !p2, p0  }
0x20: {  	[sflag:s8] =	ssyncset.s32 @!p0 $0xFFFFF086;
	s6 =	sadd.s32 @!p0 s3, s7;
	s7 =	simm.s32 @!p0 $0x108  }
0x21: {  	s3 =	sadd.s32 s3, s9;
	s6 =	sadd.s32 @!p0 $0x88, s6;
	s7 =	simm.s32 @p2 $0x1082  }
0x22: {  	[simem:s7], [sflag:s8] =	dma.local @!p0 [hbm:s6], $0xF7A  }
0x23: {  	s9 =	sor.u32 $0xD0000000, s2;
	s6 =	simm.s32 $0x108;
	_ =	swait.ge @!p0 [sflag:s8], $0x0  }
0x24: {  	s3 =	sadd.s32 $0x88, s3;
	s6 =	simm.s32 @!p1 $0x1082;
	[sflag:s4] =	ssyncset.s32 $0xFFFFF086  }
0x25: {  	[simem:s6], [sflag:s4] =	dma.local [hbm:s3], $0xF7A  }
0x26: {  	[smem:$0x3F93] =	sst s1;
	(tag) =	ssettag s2;
	_ =	strace s9  }
0x27: {  	s1 =	sld [smem:$0x3FA3]  }
0x28: {  	s2 =	sld [smem:$0x3FA4]  }
0x29: {  	s4 =	sld [smem:$0x3FA6]  }
0x2a: {  	p0 =	seq.s32 s5, $0x0;
	s5 =	sld [smem:$0x3FA7]  }
0x2b: {  	s6 =	sld [smem:$0x3FA8]  }
0x2c: {  	s7 =	sld [smem:$0x3FA9]  }
0x2d: {  	s3 =	simm.s32 $0x108;
	s8 =	sld [smem:$0x3FAA]  }
0x2e: {  	s3 =	simm.s32 @!p0 $0x1082;
	s9 =	sld [smem:$0x3FAB]  }
0x2f: {  	lr =	sadd.s32 s0, s3;
	s0 =	sld [smem:$0x3FA2]  }
0x30: {  	s3 =	sld [smem:$0x3FA5]  }
0x31: {  	[smem:$0x3FAE] =	sst s10  }
0x32: {  	s10 =	sld [smem:$0x3FAC];
	_ =	sdelay $0x3  }
0x33: {  	p0 =	seq.s32 s10, $0x1;
	s10 =	sld [smem:$0x3FAE];
	_ =	sdelay $0x3  }
0x34: {  	[smem:$0x3FAE] =	sst s10  }
0x35: {  	s10 =	sld [smem:$0x3FAD];
	_ =	sdelay $0x3  }
0x36: {  	p1 =	seq.s32 s10, $0x1;
	s10 =	sld [smem:$0x3FAE];
	_ =	sdelay $0x3  }
0x37: {  	[smem:$0x3FAE] =	sst s10  }
0x38: {  	s10 =	sld [smem:$0x3FAF]  }
0x39: {  	_ = 	snop;
	(pc) =	sbr.ind lr, $3  }
0x3a: {  	_ = 	snop  }
0x3b: {  	_ = 	snop  }
0x3c: {  	p2 =	seq.s32 s10, $0x1;
	s10 =	sld [smem:$0x3FAE]  }
0x3d: {  	_ =	shalt  }
0x3e: {  	_ =	shalt  }
0x3f: {  	_ =	shalt  }
0x40: {  	_ =	shalt  }
0x41: {  	_ =	shalt  }
0x42: {  	_ =	shalt  }
0x43: {  	_ =	shalt  }
0x44: {  	_ =	shalt  }
0x45: {  	_ =	shalt  }
0x46: {  	_ =	shalt  }
0x47: {  	_ =	shalt  }
0x48: {  	_ =	shalt  }
0x49: {  	_ =	shalt  }
0x4a: {  	_ =	shalt  }
0x4b: {  	_ =	shalt  }
0x4c: {  	_ =	shalt  }
0x4d: {  	_ =	shalt  }
0x4e: {  	_ =	shalt  }
0x4f: {  	_ =	shalt  }
0x50: {  	_ =	shalt  }
0x51: {  	_ =	shalt  }
0x52: {  	_ =	shalt  }
0x53: {  	_ =	shalt  }
0x54: {  	_ =	shalt  }
0x55: {  	_ =	shalt  }
0x56: {  	_ =	shalt  }
0x57: {  	_ =	shalt  }
0x58: {  	_ =	shalt  }
0x59: {  	_ =	shalt  }
0x5a: {  	_ =	shalt  }
0x5b: {  	_ =	shalt  }
0x5c: {  	_ =	shalt  }
0x5d: {  	_ =	shalt  }
0x5e: {  	_ =	shalt  }
0x5f: {  	_ =	shalt  }
0x60: {  	_ =	shalt  }
0x61: {  	_ =	shalt  }
0x62: {  	_ =	shalt  }
0x63: {  	_ =	shalt  }
0x64: {  	_ =	shalt  }
0x65: {  	_ =	shalt  }
0x66: {  	_ =	shalt  }
0x67: {  	_ =	shalt  }
0x68: {  	_ =	shalt  }
0x69: {  	_ =	shalt  }
0x6a: {  	_ =	shalt  }
0x6b: {  	_ =	shalt  }
0x6c: {  	_ =	shalt  }
0x6d: {  	_ =	shalt  }
0x6e: {  	_ =	shalt  }
0x6f: {  	_ =	shalt  }
0x70: {  	_ =	shalt  }
0x71: {  	_ =	shalt  }
0x72: {  	_ =	shalt  }
0x73: {  	_ =	shalt  }
0x74: {  	_ =	shalt  }
0x75: {  	_ =	shalt  }
0x76: {  	_ =	shalt  }
0x77: {  	_ =	shalt  }
0x78: {  	_ =	shalt  }
0x79: {  	_ =	shalt  }
0x7a: {  	_ =	shalt  }
0x7b: {  	_ =	shalt  }
0x7c: {  	_ =	shalt  }
0x7d: {  	_ =	shalt  }
0x7e: {  	_ =	shalt  }
0x7f: {  	_ =	shalt  }
0x80: {  	_ =	shalt  }
0x81: {  	_ =	shalt  }
0x82: {  	_ =	shalt  }
0x83: {  	_ =	shalt  }
0x84: {  	_ =	shalt  }
0x85: {  	_ =	shalt  }
0x86: {  	_ =	shalt  }
0x87: {  	_ =	shalt  }
.Lfunc_end0:
.L_simem_size_0:
called_computation_lowered:
.L_overlay_start_0:
0x88: {  	s2 =	sld [smem:$0x3FD9]  }
0x89: {  	s3 =	sld [smem:$0x3FFE];
	_ =	sdelay $0x1  }
0x8a: {  	s1 =	srdreg.scid  }
0x8b: {  	s0 =	sand.u32 $0x1, s1  }
0x8c: {  	s16 =	sshll.u32 s0, $0xA;
	s2 =	sadd.s32 s3, s2  }
0x8d: {  	s2 =	sadd.s32 s2, s16  }
0x8e: {  	[smem:$0x3FBA] =	sst s2  }
0x8f: {  	_ = 	snop  }
0x90: {  	(tm) =	ssettm $0x1  }
0x91: {  	s17 =	sld [smem:$0x3FFB];
	_ =	sdelay $0x3  }
0x92: {  	_ =	strace s17  }
0x93: {  	s2 =	sld [smem:$0x3FFC];
	_ =	sdelay $0x3  }
0x94: {  	_ =	strace s2  }
0x95: {  	s2 =	sld [smem:$0x3FFD];
	_ =	sdelay $0x3  }
0x96: {  	_ =	strace s2  }
0x97: {  	_ =	strace $0x8FFFFFFF  }
0x98: {  	s18 =	sld [smem:$0x3FDB];
	_ =	sdelay $0x1  }
0x99: {  	s19 =	simm.s32 $_scs_section_size  }
0x9a: {  	s4 =	simm.s32 $_size__tile_overlayer_lowered;
	s5 =	simm.s32 $_tile_overlayer_lowered  }
0x9b: {  	s22 =	simm.s32 $0x1BFF;
	s21 =	sshll.u32 s5, $0x1;
	s2 =	sadd.s32 s19, s18  }
0x9c: {  	s6 =	simm.s32 $0x0;
	s20 =	sshll.u32 s4, $0x1;
	s4 =	sadd.s32 s21, s2  }
0x9d: {  	[timem:s6], [sflag:s22] =	dma.local [hbm:s4], s20  }
0x9e: {  	_ =	swait.ge [sflag:s22], s20  }
0x9f: {  	s3 =	ssub.s32 $0x0, s20;
	[sflag:s22] =	ssyncset.done $0x0  }
0xa0: {  	[sflag:s22] =	ssyncadd.s32 s3;
	_ =	sdelay $0x1  }
0xa1: {  	s23 =	simm.s32 $0x1B8B  }
0xa2: {  	_ =	swait.ge [sflag:s23], $0x1  }
0xa3: {  	[sflag:s23] =	ssyncset.done $0x0  }
0xa4: {  	s25 =	simm.s32 $0x1B8E;
	s24 =	sld [smem:$0x3FFE];
	[sflag:s23] =	ssyncadd.s32 $0xFFFFFFFF  }
0xa5: {  	s26 =	simm.s32 $execute0_lowered;
	[smem:$0x3FD2] =	sst s25  }
0xa6: {  	s4 =	sshll.u32 s26, $0x1;
	_ =	strace $0x80000046;
	[dreg:$0x1] =	wrdreg $0xFFFFFFFF  }
0xa7: {  	s28 =	simm.s32 $_size_execute0_lowered;
	s2 =	sadd.s32 s2, s4;
	[dreg:$0x0] =	wrdreg $0x0  }
0xa8: {  	s4 =	sshll.u32 s28, $0x1;
	[dreg:$0x2] =	wrdreg s2  }
0xa9: {  	[dreg:$0x3] =	wrdreg s4  }
0xaa: {  	[dreg:$0x4] =	wrdreg $0xC0  }
0xab: {  	_ =	task [dreg:s6], $0x5FFFF  }
0xac: {  	[dreg:$0x1] =	wrdreg $0xFFFFFFFF  }
0xad: {  	[dreg:$0x0] =	wrdreg $0x60  }
0xae: {  	[dreg:$0x2] =	wrdreg s24  }
0xaf: {  	[dreg:$0x3] =	wrdreg $0xA3000  }
0xb0: {  	[dreg:$0x4] =	wrdreg $0x9  }
0xb1: {  	_ =	task.clear_ibuf [dreg:s6], $0x5FFFF;
	_ =	strace $0x90000046  }
0xb2: {  	s29 =	simm.s32 $0x9;
	_ =	strace $0x80000048  }
0xb3: {  	_ =	swait.ge [sflag:s29], $0x1  }
0xb4: {  	[sflag:s29] =	ssyncadd.s32 $0xFFFFFFFF  }
0xb5: {  	_ =	strace $0x90000048  }
0xb6: {  	_ =	sfence  }
0xb7: {  	s30 =	sld [smem:$0x0];
	_ =	sdelay $0x2  }
0xb8: {  	s31 =	sshll.u32 s1, $0xD;
	s1 =	sshrl.u32 s1, $0x2  }
0xb9: {  	s3 =	sand.u32 $0x4000, s31;
	s1 =	sadd.s32 s1, s30  }
0xba: {  	s0 =	sor.u32 s3, s0;
	s1 =	sshll.u32 s1, $0x11  }
0xbb: {  	s0 =	sor.u32 s1, s0  }
0xbc: {  	s0 =	sadd.s32 $0x8F2B, s0  }
0xbd: {  	[sflag:s0] =	ssyncadd.remote.s32 $0x1  }
0xbe: {  	_ =	sfence.sel $0xFFFF  }
0xbf: {  	[dreg:$0x0] =	wrdreg $0xFFFFFFFF;
	(pc) =	sbr.abs _section_cstart, $3  }
0xc0: {  	[dreg:$0x1] =	wrdreg $0xFFFFFFFF  }
0xc1: {  	_ =	task.clear_ibuf [dreg:s6], $0x2FFFF;
	_ =	strace $0x9FFFFFFF  }
0xc2: {  	(tm) =	ssettm $0x7FFFFFFF  }
0xc3: {  	_ =	shalt  }
tec
execute0_lowered:
.L_overlay_start_1:
0x0: {  	(tag) =	ssettag $0x1  }
0x1: {  	s0 =	rddreg [dreg:$0x0]  }
0x2: {  	s1 =	rddreg [dreg:$0x1]  }
0x3: {  	s2 =	simm.s32 $0x0;
	s7 =	srdreg.scid;
	s9 =	stileid.u32  }
0x4: {  	s28 =	simm.s32 $0x5300;
	s29 =	simm.s32 $0x3;
	s30 =	simm.s32 $0x5  }
0x5: {  	s31 =	simm.s32 $0x2;
	[smem:$0x7FF] =	sst s2;
	s3 =	sadd.s32 $0x1C00, s0  }
0x6: {  	s4 =	sadd.s32 $0x3CA00, s0;
	s5 =	sadd.s32 $0x32C00, s0;
	s6 =	sadd.s32 $0x28E00, s0  }
0x7: {  	s16 =	sadd.s32 $0x63C00, s0;
	s7 =	sand.u32 $0x1, s7;
	s11 =	smul.u32 $0x4E000, s9  }
0x8: {  	s10 =	sshll.u32 s9, $0x1;
	s0 =	sadd.s32 $0x66400, s0;
	s18 =	smul.u32 $0x2700, s9  }
0x9: {  	s19 =	sshll.u32 s9, $0x6;
	p0 =	sne.s32 s9, $0x0;
	s9 =	simm.s32 $0x7B00  }
0xa: {  	_ =	strace $0x80000047;
	[dreg:$0x3] =	wrdreg s16;
	s8 =	ssub.s32 $0x2, s7  }
0xb: {  	s10 =	sor.u32 s7, s10;
	s16 =	sadd.s32 $0x138000, s1;
	s12 =	sshrl.u32 s8, $0x1  }
0xc: {  	s17 =	sshrl.u32 s11, $0x2;
	s10 =	smul.u32 $0x2710, s10;
	s11 =	simm.s32 $0x4  }
0xd: {  	s12 =	ssub.s32 s8, s12;
	s15 =	sadd.s32 s17, s1;
	s17 =	smul.u32 $0x138800, s7  }
0xe: {  	s8 =	sor.u32 $0x1C07, s19;
	s7 =	smul.u32 $0x27100, s7;
	s19 =	simm.s32 $0x7  }
0xf: {  	s13 =	sshrl.u32 s10, $0x3;
	s26 =	smax.u32 s12, $0x1;
	s12 =	simm.s32 $0x6  }
0x10: {  	s20 =	sadd.s32 s5, s13;
	s14 =	sadd.s32 $0xA, s13;
	s21 =	sadd.s32 s6, s13  }
0x11: {  	s13 =	sadd.s32 $0xA0, s10;
	s17 =	sshrl.u32 s17, $0x3;
	[dreg:$0xa] =	wrdreg s26  }
0x12: {  	s7 =	sadd.s32 s18, s7;
	s18 =	sshrl.u32 @!p0 s16, $0x3;
	[dreg:$0x4] =	wrdreg s20  }
0x13: {  	s26 =	simm.s32 $0x300;
	s16 =	simm.s32 $0x0;
	[dreg:$0x5] =	wrdreg s21  }
0x14: {  	s22 =	sadd.s32 s5, s14;
	s23 =	sadd.s32 s6, s14;
	s14 =	sadd.s32 $0xF0, s10  }
0x15: {  	s24 =	sadd.s32 s0, s17;
	s0 =	sadd.s32 s0, s7;
	[dreg:$0xc] =	wrdreg s18  }
0x16: {  	s17 =	sshrl.u32 s15, $0x3;
	s21 =	simm.s32 $0x100;
	[dreg:$0x6] =	wrdreg s22  }
0x17: {  	s10 =	simm.s32 $0x200;
	s15 =	simm.s32 $0x280;
	[dreg:$0x7] =	wrdreg s23  }
0x18: {  	[dreg:$0x8] =	wrdreg s0;
	s25 =	sadd.s32 $0x27000, s24;
	s22 =	simm.s32 $0x80  }
0x19: {  	s23 =	simm.s32 $0x180;
	s24 =	simm.s32 $0x1;
	[dreg:$0xb] =	wrdreg s17  }
0x1a: {  	s0 =	simm.s32 $0x2B00;
	[dreg:$0x9] =	wrdreg s25;
	s25 =	simm.s32 $0x50  }
.LBB2_1:
0x1b: {  	s2 =	rddreg [dreg:$0x3]  }
0x1c: {  	[spmem:s17], [sflag:s8] =	dma.local [hbm:s2], $0x2700  }
0x1d: {  	_ =	swait.ge [sflag:s19], $0x2700  }
0x1e: {  	[sflag:s19] =	ssyncset.done $0x0  }
0x1f: {  	s7 =	simm.s32 @!p0 $0x7;
	[sflag:s19] =	ssyncadd.s32 $0xFFFFD900  }
0x20: {  	[spmem:s18], [sflag:s8] =	dma.local @!p0 [hbm:s2], $0x100  }
0x21: {  	_ =	swait.ge @!p0 [sflag:s7], $0x100  }
0x22: {  	[sflag:s7] =	ssyncset.done @!p0 $0x0  }
0x23: {  	[sflag:s7] =	ssyncadd.s32 @!p0 $0xFFFFFF00  }
0x24: {  	[bflag:$0x0] =	sbarrier.arrive $0xFFFF  }
0x25: {  	s2 =	simm.s32 $0x0;
	s20 =	rddreg [dreg:$0x4]  }
0x26: {  	[tilespmem:s2], [sflag:$0x1] =	stream.linear.gather [hbm4b:s20+s2], $0x50, $0x38;
	[tilespmem:$0x1DB80] =	vst v63  }
0x27: {  	s17 =	rddreg [dreg:$0x5]  }
0x28: {  	[tilespmem:s21], [sflag:$0x1] =	stream.linear.gather [hbm4b:s17+s2], $0x50, $0x38;
	[tilespmem:$0x1DB80] =	vst v63  }
0x29: {  	s18 =	rddreg [dreg:$0x6]  }
0x2a: {  	[tilespmem:s22], [sflag:$0x2] =	stream.linear.gather [hbm4b:s18+s2], $0x50, $0x38;
	[tilespmem:$0x1DB80] =	vst v63  }
0x2b: {  	s20 =	rddreg [dreg:$0x7]  }
0x2c: {  	[tilespmem:s23], [sflag:$0x2] =	stream.linear.gather [hbm4b:s20+s2], $0x50, $0x38;
	[tilespmem:$0x1DB80] =	vst v63  }
0x2d: {  	_ =	swait.ge [sflag:s24], $0x50  }
0x2e: {  	[sflag:s24] =	ssyncset.done $0x0  }
0x2f: {  	[sflag:s24] =	ssyncadd.s32 $0xFFFFFFB0  }
0x30: {  	_ =	swait.ge [sflag:s24], $0x50  }
0x31: {  	[sflag:s24] =	ssyncset.done $0x0  }
0x32: {  	[sflag:s24] =	ssyncadd.s32 $0xFFFFFFB0  }
0x33: {  	[tilespmem:s26], [sflag:$0x3] =	stream.indirect.gather [hbm4b:s3+s25], $0x80, s2, s25, $0xb8;
	[tilespmem:$0x1DB80] =	vst v63  }
0x34: {  	s17 =	simm.s32 $0x0  }
0x35: {  	[tilespmem:s28], [sflag:$0x5] =	stream.indirect.gather [hbm4b:s4+s25], $0x80, s21, s25, $0xb8;
	[tilespmem:$0x1DB80] =	vst v63  }
.LBB2_2:
0x36: {  	_ =	swait.ge [sflag:s29], $0x2800  }
0x37: {  	[sflag:s29] =	ssyncset.done $0x0  }
0x38: {  	[sflag:s29] =	ssyncadd.s32 $0xFFFFD800  }
0x39: {  	_ =	swait.ge [sflag:s30], $0x2800  }
0x3a: {  	[sflag:s30] =	ssyncset.done $0x0  }
0x3b: {  	[sflag:s30] =	ssyncadd.s32 $0xFFFFD800  }
0x3c: {  	v0 =	vld [tilespmem:$0x100]  }
0x3d: {  	v1 =	vld [tilespmem:$0x110]  }
0x3e: {  	v2 =	vld [tilespmem:$0x120]  }
0x3f: {  	v3 =	vld [tilespmem:$0x130]  }
0x40: {  	v4 =	vld [tilespmem:$0x140]  }
0x41: {  	s7 =	smul.u32 $0xA0, s17;
	[tilespmem:$0x200] =	vst v0  }
0x42: {  	[tilespmem:$0x210] =	vst v1  }
0x43: {  	s18 =	sadd.s32 s7, s13;
	[tilespmem:$0x220] =	vst v2  }
0x44: {  	s18 =	sshrl.u32 s18, $0x3;
	[tilespmem:$0x230] =	vst v3  }
0x45: {  	s2 =	simm.s32 $0x0;
	s20 =	sadd.s32 s5, s18;
	[tilespmem:$0x240] =	vst v4  }
0x46: {  	[tilespmem:s2], [sflag:$0x1] =	stream.linear.gather [hbm4b:s20+s2], $0x50, $0x38;
	[tilespmem:$0x1DB80] =	vst v63  }
0x47: {  	s18 =	sadd.s32 s6, s18  }
0x48: {  	[tilespmem:s21], [sflag:$0x1] =	stream.linear.gather [hbm4b:s18+s2], $0x50, $0x38;
	[tilespmem:$0x1DB80] =	vst v63  }
0x49: {  	_ =	swait.ge [sflag:s31], $0x50  }
0x4a: {  	[sflag:s31] =	ssyncset.done $0x0  }
0x4b: {  	[sflag:s31] =	ssyncadd.s32 $0xFFFFFFB0  }
0x4c: {  	_ =	swait.ge [sflag:s31], $0x50  }
0x4d: {  	[sflag:s31] =	ssyncset.done $0x0  }
0x4e: {  	[sflag:s31] =	ssyncadd.s32 $0xFFFFFFB0  }
0x4f: {  	[tilespmem:s0], [sflag:$0x4] =	stream.indirect.gather [hbm4b:s3+s25], $0x80, s22, s25, $0xb8;
	[tilespmem:$0x1DB80] =	vst v63  }
0x50: {  	s18 =	simm.s32 $0x0  }
0x51: {  	[tilespmem:s9], [sflag:$0x6] =	stream.indirect.gather [hbm4b:s4+s25], $0x80, s23, s25, $0xb8;
	[tilespmem:$0x1DB80] =	vst v63  }
0x52: {  	v6 =	vld [tilespmem:s18+$0x5300]  }
0x53: {  	v11 =	vld [tilespmem:s18+$0x5310]  }
0x54: {  	v5 =	vld [tilespmem:s18+$0x5320]  }
0x55: {  	v4 =	vld [tilespmem:s18+$0x5330]  }
0x56: {  	v3 =	vld [tilespmem:s18+$0x5340]  }
0x57: {  	v2 =	vld [tilespmem:s18+$0x5350]  }
0x58: {  	v1 =	vld [tilespmem:s18+$0x5360]  }
0x59: {  	v0 =	vld [tilespmem:s18+$0x5370]  }
0x5a: {  	v12 =	vld [tilespmem:s18+$0x300]  }
0x5b: {  	v13 =	vld [tilespmem:s18+$0x310]  }
0x5c: {  	v10 =	vld [tilespmem:s18+$0x320]  }
0x5d: {  	v9 =	vld [tilespmem:s18+$0x330]  }
0x5e: {  	v8 =	vld [tilespmem:s18+$0x340]  }
0x5f: {  	v7 =	vld [tilespmem:s18+$0x350];
	v12 =	vadd.f32 v6, v12  }
0x60: {  	s20 =	simm.s32 $0x200;
	v11 =	vadd.f32 v11, v13;
	v6 =	vld [tilespmem:s18+$0x360]  }
.LBB2_3:
0x61: {  	s2 =	sshra.s32 s20, $0x2;
	p1 =	sne.s32 s20, $0x9E00;
	v12 =	vmax.f32 v12, $0.0e+00;
	v5 =	vadd.f32 v5, v10;
	v10 =	vld [tilespmem:s18+$0x370]  }
0x62: {  	v13 =	vld [tilespmem:s2+$0x5300];
	[tilespmem:s18+$0x300] =	vst v12;
	v11 =	vmax.f32 v11, $0.0e+00;
	v4 =	vadd.f32 v4, v9  }
0x63: {  	v14 =	vld [tilespmem:s2+$0x5310];
	[tilespmem:s18+$0x310] =	vst v11;
	v9 =	vmax.f32 v5, $0.0e+00;
	v3 =	vadd.f32 v3, v8  }
0x64: {  	v5 =	vld [tilespmem:s2+$0x5320];
	[tilespmem:s18+$0x320] =	vst v9;
	v8 =	vmax.f32 v4, $0.0e+00;
	v2 =	vadd.f32 v2, v7  }
0x65: {  	v4 =	vld [tilespmem:s2+$0x5330];
	[tilespmem:s18+$0x330] =	vst v8;
	v7 =	vmax.f32 v3, $0.0e+00;
	v1 =	vadd.f32 v1, v6  }
0x66: {  	v3 =	vld [tilespmem:s2+$0x5340];
	[tilespmem:s18+$0x340] =	vst v7;
	v6 =	vmax.f32 v2, $0.0e+00;
	v0 =	vadd.f32 v0, v10  }
0x67: {  	v2 =	vld [tilespmem:s2+$0x5350];
	[tilespmem:s18+$0x350] =	vst v6;
	v6 =	vmax.f32 v1, $0.0e+00  }
0x68: {  	v1 =	vld [tilespmem:s2+$0x5360];
	[tilespmem:s18+$0x360] =	vst v6;
	v6 =	vmax.f32 v0, $0.0e+00  }
0x69: {  	v0 =	vld [tilespmem:s2+$0x5370];
	[tilespmem:s18+$0x370] =	vst v6;
	s18 =	smov.u32 s2  }
0x6a: {  	v6 =	vld [tilespmem:s18+$0x300]  }
0x6b: {  	v11 =	vld [tilespmem:s18+$0x310]  }
.Ltmp0:
0x6c: {  	v10 =	vld [tilespmem:s18+$0x320];
	(pc) =	sbr.rel @p1 .LBB2_3-.Ltmp0, $4  }
0x6d: {  	v9 =	vld [tilespmem:s18+$0x330]  }
0x6e: {  	v8 =	vld [tilespmem:s18+$0x340]  }
0x6f: {  	v12 =	vadd.f32 v13, v6;
	v7 =	vld [tilespmem:s18+$0x350]  }
0x70: {  	s20 =	sadd.s32 $0x200, s20;
	v11 =	vadd.f32 v14, v11;
	v6 =	vld [tilespmem:s18+$0x360]  }
0x71: {  	v12 =	vmax.f32 v12, $0.0e+00;
	v5 =	vadd.f32 v5, v10;
	v10 =	vld [tilespmem:s18+$0x370]  }
0x72: {  	[tilespmem:s18+$0x300] =	vst v12;
	v11 =	vmax.f32 v11, $0.0e+00;
	v4 =	vadd.f32 v4, v9  }
0x73: {  	[tilespmem:s18+$0x310] =	vst v11;
	v5 =	vmax.f32 v5, $0.0e+00;
	v3 =	vadd.f32 v3, v8  }
0x74: {  	[tilespmem:s18+$0x320] =	vst v5;
	v4 =	vmax.f32 v4, $0.0e+00;
	v2 =	vadd.f32 v2, v7  }
0x75: {  	[tilespmem:s18+$0x330] =	vst v4;
	v3 =	vmax.f32 v3, $0.0e+00;
	v1 =	vadd.f32 v1, v6  }
0x76: {  	[tilespmem:s18+$0x340] =	vst v3;
	v2 =	vmax.f32 v2, $0.0e+00;
	v0 =	vadd.f32 v0, v10  }
0x77: {  	[tilespmem:s18+$0x350] =	vst v2;
	v1 =	vmax.f32 v1, $0.0e+00  }
0x78: {  	[tilespmem:s18+$0x360] =	vst v1;
	v0 =	vmax.f32 v0, $0.0e+00  }
0x79: {  	[tilespmem:s18+$0x370] =	vst v0  }
0x7a: {  	[spmem:s1] =	stream.indirect.scatter.add.f32 [tilespmem:s26], [sflag:$0x7], $0x80, s10, s25, $0xb8;
	[tilespmem:$0x1DB80] =	vst v63  }
0x7b: {  	_ =	swait.ge [sflag:s19], $0x2800  }
0x7c: {  	[sflag:s19] =	ssyncset.done $0x0  }
0x7d: {  	[sflag:s19] =	ssyncadd.s32 $0xFFFFD800  }
0x7e: {  	_ =	swait.ge [sflag:s11], $0x2800  }
0x7f: {  	[sflag:s11] =	ssyncset.done $0x0  }
0x80: {  	[sflag:s11] =	ssyncadd.s32 $0xFFFFD800  }
0x81: {  	_ =	swait.ge [sflag:s12], $0x2800  }
0x82: {  	[sflag:s12] =	ssyncset.done $0x0  }
0x83: {  	[sflag:s12] =	ssyncadd.s32 $0xFFFFD800  }
0x84: {  	v0 =	vld [tilespmem:$0x180]  }
0x85: {  	v1 =	vld [tilespmem:$0x190]  }
0x86: {  	v2 =	vld [tilespmem:$0x1A0]  }
0x87: {  	v3 =	vld [tilespmem:$0x1B0]  }
0x88: {  	v4 =	vld [tilespmem:$0x1C0]  }
0x89: {  	[tilespmem:$0x280] =	vst v0  }
0x8a: {  	p1 =	seq.s32 s17, $0x3D;
	[tilespmem:$0x290] =	vst v1  }
0x8b: {  	s2 =	sadd.s32 @!p1 s7, s14;
	[tilespmem:$0x2A0] =	vst v2  }
0x8c: {  	s2 =	sshrl.u32 @!p1 s2, $0x3;
	[tilespmem:$0x2B0] =	vst v3  }
0x8d: {  	s20 =	simm.s32 @!p1 $0x80;
	s7 =	sadd.s32 @!p1 s5, s2;
	s18 =	simm.s32 @!p1 $0x0;
	[tilespmem:$0x2C0] =	vst v4  }
0x8e: {  	[tilespmem:s20], [sflag:$0x2] =	stream.linear.gather @!p1 [hbm4b:s7+s18], $0x50, $0x38;
	[tilespmem:$0x1DB80] =	vst v63  }
0x8f: {  	s2 =	sadd.s32 @!p1 s6, s2;
	s7 =	simm.s32 @!p1 $0x180  }
0x90: {  	[tilespmem:s7], [sflag:$0x2] =	stream.linear.gather @!p1 [hbm4b:s2+s18], $0x50, $0x38;
	[tilespmem:$0x1DB80] =	vst v63  }
0x91: {  	_ =	swait.ge [sflag:s24], $0x50  }
0x92: {  	[sflag:s24] =	ssyncset.done $0x0  }
0x93: {  	[sflag:s24] =	ssyncadd.s32 $0xFFFFFFB0  }
0x94: {  	_ =	swait.ge [sflag:s24], $0x50  }
0x95: {  	[sflag:s24] =	ssyncset.done $0x0  }
0x96: {  	s20 =	simm.s32 $0x0;
	[sflag:s24] =	ssyncadd.s32 $0xFFFFFFB0  }
0x97: {  	[tilespmem:s26], [sflag:$0x3] =	stream.indirect.gather [hbm4b:s3+s25], $0x80, s20, s25, $0xb8;
	[tilespmem:$0x1DB80] =	vst v63  }
0x98: {  	s7 =	simm.s32 $0x0  }
0x99: {  	[tilespmem:s28], [sflag:$0x5] =	stream.indirect.gather [hbm4b:s4+s25], $0x80, s21, s25, $0xb8;
	[tilespmem:$0x1DB80] =	vst v63  }
0x9a: {  	v6 =	vld [tilespmem:s7+$0x7B00]  }
0x9b: {  	v11 =	vld [tilespmem:s7+$0x7B10]  }
0x9c: {  	v5 =	vld [tilespmem:s7+$0x7B20]  }
0x9d: {  	v4 =	vld [tilespmem:s7+$0x7B30]  }
0x9e: {  	v3 =	vld [tilespmem:s7+$0x7B40]  }
0x9f: {  	v2 =	vld [tilespmem:s7+$0x7B50]  }
0xa0: {  	v1 =	vld [tilespmem:s7+$0x7B60]  }
0xa1: {  	v0 =	vld [tilespmem:s7+$0x7B70]  }
0xa2: {  	v12 =	vld [tilespmem:s7+$0x2B00]  }
0xa3: {  	v13 =	vld [tilespmem:s7+$0x2B10]  }
0xa4: {  	v10 =	vld [tilespmem:s7+$0x2B20]  }
0xa5: {  	v9 =	vld [tilespmem:s7+$0x2B30]  }
0xa6: {  	v8 =	vld [tilespmem:s7+$0x2B40]  }
0xa7: {  	v7 =	vld [tilespmem:s7+$0x2B50];
	v12 =	vadd.f32 v6, v12  }
0xa8: {  	s18 =	simm.s32 $0x200;
	v11 =	vadd.f32 v11, v13;
	v6 =	vld [tilespmem:s7+$0x2B60]  }
.LBB2_5:
0xa9: {  	s2 =	sshra.s32 s18, $0x2;
	p1 =	sne.s32 s18, $0x9E00;
	v12 =	vmax.f32 v12, $0.0e+00;
	v5 =	vadd.f32 v5, v10;
	v10 =	vld [tilespmem:s7+$0x2B70]  }
0xaa: {  	v13 =	vld [tilespmem:s2+$0x7B00];
	[tilespmem:s7+$0x2B00] =	vst v12;
	v11 =	vmax.f32 v11, $0.0e+00;
	v4 =	vadd.f32 v4, v9  }
0xab: {  	v14 =	vld [tilespmem:s2+$0x7B10];
	[tilespmem:s7+$0x2B10] =	vst v11;
	v9 =	vmax.f32 v5, $0.0e+00;
	v3 =	vadd.f32 v3, v8  }
0xac: {  	v5 =	vld [tilespmem:s2+$0x7B20];
	[tilespmem:s7+$0x2B20] =	vst v9;
	v8 =	vmax.f32 v4, $0.0e+00;
	v2 =	vadd.f32 v2, v7  }
0xad: {  	v4 =	vld [tilespmem:s2+$0x7B30];
	[tilespmem:s7+$0x2B30] =	vst v8;
	v7 =	vmax.f32 v3, $0.0e+00;
	v1 =	vadd.f32 v1, v6  }
0xae: {  	v3 =	vld [tilespmem:s2+$0x7B40];
	[tilespmem:s7+$0x2B40] =	vst v7;
	v6 =	vmax.f32 v2, $0.0e+00;
	v0 =	vadd.f32 v0, v10  }
0xaf: {  	v2 =	vld [tilespmem:s2+$0x7B50];
	[tilespmem:s7+$0x2B50] =	vst v6;
	v6 =	vmax.f32 v1, $0.0e+00  }
0xb0: {  	v1 =	vld [tilespmem:s2+$0x7B60];
	[tilespmem:s7+$0x2B60] =	vst v6;
	v6 =	vmax.f32 v0, $0.0e+00  }
0xb1: {  	v0 =	vld [tilespmem:s2+$0x7B70];
	[tilespmem:s7+$0x2B70] =	vst v6;
	s7 =	smov.u32 s2  }
0xb2: {  	v6 =	vld [tilespmem:s7+$0x2B00]  }
0xb3: {  	v11 =	vld [tilespmem:s7+$0x2B10]  }
.Ltmp1:
0xb4: {  	v10 =	vld [tilespmem:s7+$0x2B20];
	(pc) =	sbr.rel @p1 .LBB2_5-.Ltmp1, $4  }
0xb5: {  	v9 =	vld [tilespmem:s7+$0x2B30]  }
0xb6: {  	v8 =	vld [tilespmem:s7+$0x2B40]  }
0xb7: {  	v12 =	vadd.f32 v13, v6;
	v7 =	vld [tilespmem:s7+$0x2B50]  }
0xb8: {  	s18 =	sadd.s32 $0x200, s18;
	v11 =	vadd.f32 v14, v11;
	v6 =	vld [tilespmem:s7+$0x2B60]  }
0xb9: {  	v12 =	vmax.f32 v12, $0.0e+00;
	v5 =	vadd.f32 v5, v10;
	v63 =	vld [tilespmem:s7+$0x2B70]  }
0xba: {  	[tilespmem:s7+$0x2B00] =	vst v12;
	v11 =	vmax.f32 v11, $0.0e+00;
	v4 =	vadd.f32 v4, v9  }
0xbb: {  	[tilespmem:s7+$0x2B10] =	vst v11;
	v5 =	vmax.f32 v5, $0.0e+00;
	v3 =	vadd.f32 v3, v8  }
0xbc: {  	[tilespmem:s7+$0x2B20] =	vst v5;
	v4 =	vmax.f32 v4, $0.0e+00;
	v2 =	vadd.f32 v2, v7  }
0xbd: {  	[tilespmem:s7+$0x2B30] =	vst v4;
	v3 =	vmax.f32 v3, $0.0e+00;
	v1 =	vadd.f32 v1, v6  }
0xbe: {  	[tilespmem:s7+$0x2B40] =	vst v3;
	v2 =	vmax.f32 v2, $0.0e+00;
	v0 =	vadd.f32 v0, v63  }
0xbf: {  	s17 =	sadd.s32 $0x1, s17;
	[tilespmem:s7+$0x2B50] =	vst v2;
	v1 =	vmax.f32 v1, $0.0e+00  }
0xc0: {  	p1 =	sne.s32 s17, $0x3E;
	[tilespmem:s7+$0x2B60] =	vst v1;
	v0 =	vmax.f32 v0, $0.0e+00  }
.Ltmp2:
0xc1: {  	[tilespmem:s7+$0x2B70] =	vst v0;
	(pc) =	sbr.rel @p1 .LBB2_2-.Ltmp2, $4  }
0xc2: {  	[spmem:s1] =	stream.indirect.scatter.add.f32 [tilespmem:s0], [sflag:$0x7], $0x80, s15, s25, $0xb8;
	[tilespmem:$0x1DB80] =	vst v63  }
0xc3: {  	_ =	swait.ge [sflag:s19], $0x2800  }
0xc4: {  	[sflag:s19] =	ssyncset.done $0x0  }
0xc5: {  	[sflag:s19] =	ssyncadd.s32 $0xFFFFD800  }
0xc6: {  	_ =	swait.ge [sflag:s29], $0x2800  }
0xc7: {  	[sflag:s29] =	ssyncset.done $0x0  }
0xc8: {  	[sflag:s29] =	ssyncadd.s32 $0xFFFFD800  }
0xc9: {  	_ =	swait.ge [sflag:s30], $0x2800  }
0xca: {  	[sflag:s30] =	ssyncset.done $0x0  }
0xcb: {  	[sflag:s30] =	ssyncadd.s32 $0xFFFFD800  }
0xcc: {  	v0 =	vld [tilespmem:$0x100]  }
0xcd: {  	v1 =	vld [tilespmem:$0x110]  }
0xce: {  	v2 =	vld [tilespmem:$0x120]  }
0xcf: {  	v3 =	vld [tilespmem:$0x130]  }
0xd0: {  	v4 =	vld [tilespmem:$0x140]  }
0xd1: {  	[tilespmem:$0x200] =	vst v0  }
0xd2: {  	[tilespmem:$0x210] =	vst v1  }
0xd3: {  	[tilespmem:$0x220] =	vst v2  }
0xd4: {  	[tilespmem:$0x230] =	vst v3  }
0xd5: {  	s7 =	simm.s32 $0x0;
	[tilespmem:$0x240] =	vst v4  }
0xd6: {  	v6 =	vld [tilespmem:s7+$0x5300]  }
0xd7: {  	v11 =	vld [tilespmem:s7+$0x5310]  }
0xd8: {  	v5 =	vld [tilespmem:s7+$0x5320]  }
0xd9: {  	v4 =	vld [tilespmem:s7+$0x5330]  }
0xda: {  	v3 =	vld [tilespmem:s7+$0x5340]  }
0xdb: {  	v2 =	vld [tilespmem:s7+$0x5350]  }
0xdc: {  	v1 =	vld [tilespmem:s7+$0x5360]  }
0xdd: {  	v0 =	vld [tilespmem:s7+$0x5370]  }
0xde: {  	v12 =	vld [tilespmem:s7+$0x300]  }
0xdf: {  	v13 =	vld [tilespmem:s7+$0x310]  }
0xe0: {  	v10 =	vld [tilespmem:s7+$0x320]  }
0xe1: {  	v9 =	vld [tilespmem:s7+$0x330]  }
0xe2: {  	v8 =	vld [tilespmem:s7+$0x340]  }
0xe3: {  	v7 =	vld [tilespmem:s7+$0x350];
	v12 =	vadd.f32 v6, v12  }
0xe4: {  	s17 =	simm.s32 $0x200;
	v11 =	vadd.f32 v11, v13;
	v6 =	vld [tilespmem:s7+$0x360]  }
.LBB2_8:
0xe5: {  	s2 =	sshra.s32 s17, $0x2;
	p1 =	sne.s32 s17, $0x9E00;
	v12 =	vmax.f32 v12, $0.0e+00;
	v5 =	vadd.f32 v5, v10;
	v10 =	vld [tilespmem:s7+$0x370]  }
0xe6: {  	v13 =	vld [tilespmem:s2+$0x5300];
	[tilespmem:s7+$0x300] =	vst v12;
	v11 =	vmax.f32 v11, $0.0e+00;
	v4 =	vadd.f32 v4, v9  }
0xe7: {  	v14 =	vld [tilespmem:s2+$0x5310];
	[tilespmem:s7+$0x310] =	vst v11;
	v9 =	vmax.f32 v5, $0.0e+00;
	v3 =	vadd.f32 v3, v8  }
0xe8: {  	v5 =	vld [tilespmem:s2+$0x5320];
	[tilespmem:s7+$0x320] =	vst v9;
	v8 =	vmax.f32 v4, $0.0e+00;
	v2 =	vadd.f32 v2, v7  }
0xe9: {  	v4 =	vld [tilespmem:s2+$0x5330];
	[tilespmem:s7+$0x330] =	vst v8;
	v7 =	vmax.f32 v3, $0.0e+00;
	v1 =	vadd.f32 v1, v6  }
0xea: {  	v3 =	vld [tilespmem:s2+$0x5340];
	[tilespmem:s7+$0x340] =	vst v7;
	v6 =	vmax.f32 v2, $0.0e+00;
	v0 =	vadd.f32 v0, v10  }
0xeb: {  	v2 =	vld [tilespmem:s2+$0x5350];
	[tilespmem:s7+$0x350] =	vst v6;
	v6 =	vmax.f32 v1, $0.0e+00  }
0xec: {  	v1 =	vld [tilespmem:s2+$0x5360];
	[tilespmem:s7+$0x360] =	vst v6;
	v6 =	vmax.f32 v0, $0.0e+00  }
0xed: {  	v0 =	vld [tilespmem:s2+$0x5370];
	[tilespmem:s7+$0x370] =	vst v6;
	s7 =	smov.u32 s2  }
0xee: {  	v6 =	vld [tilespmem:s7+$0x300]  }
0xef: {  	v11 =	vld [tilespmem:s7+$0x310]  }
.Ltmp3:
0xf0: {  	v10 =	vld [tilespmem:s7+$0x320];
	(pc) =	sbr.rel @p1 .LBB2_8-.Ltmp3, $4  }
0xf1: {  	v9 =	vld [tilespmem:s7+$0x330]  }
0xf2: {  	v8 =	vld [tilespmem:s7+$0x340]  }
0xf3: {  	v12 =	vadd.f32 v13, v6;
	v7 =	vld [tilespmem:s7+$0x350]  }
0xf4: {  	s17 =	sadd.s32 $0x200, s17;
	v11 =	vadd.f32 v14, v11;
	v6 =	vld [tilespmem:s7+$0x360]  }
0xf5: {  	v12 =	vmax.f32 v12, $0.0e+00;
	v5 =	vadd.f32 v5, v10;
	v63 =	vld [tilespmem:s7+$0x370]  }
0xf6: {  	[tilespmem:s7+$0x300] =	vst v12;
	v11 =	vmax.f32 v11, $0.0e+00;
	v4 =	vadd.f32 v4, v9  }
0xf7: {  	[tilespmem:s7+$0x310] =	vst v11;
	v5 =	vmax.f32 v5, $0.0e+00;
	v3 =	vadd.f32 v3, v8  }
0xf8: {  	[tilespmem:s7+$0x320] =	vst v5;
	v4 =	vmax.f32 v4, $0.0e+00;
	v2 =	vadd.f32 v2, v7  }
0xf9: {  	[tilespmem:s7+$0x330] =	vst v4;
	v3 =	vmax.f32 v3, $0.0e+00;
	v1 =	vadd.f32 v1, v6  }
0xfa: {  	[tilespmem:s7+$0x340] =	vst v3;
	v2 =	vmax.f32 v2, $0.0e+00;
	v0 =	vadd.f32 v0, v63  }
0xfb: {  	[tilespmem:s7+$0x350] =	vst v2;
	v1 =	vmax.f32 v1, $0.0e+00  }
0xfc: {  	[tilespmem:s7+$0x360] =	vst v1;
	v0 =	vmax.f32 v0, $0.0e+00  }
0xfd: {  	[tilespmem:s7+$0x370] =	vst v0  }
0xfe: {  	[spmem:s1] =	stream.indirect.scatter.add.f32 [tilespmem:s26], [sflag:$0x7], $0x80, s10, s25, $0xb8;
	[tilespmem:$0x1DB80] =	vst v63  }
0xff: {  	_ =	swait.ge [sflag:s19], $0x2800  }
0x100: {  	[sflag:s19] =	ssyncset.done $0x0  }
0x101: {  	[sflag:s19] =	ssyncadd.s32 $0xFFFFD800  }
0x102: {  	[bflag:$0x0] =	sbarrier.arrive $0xFFFF  }
0x103: {  	s2 =	rddreg [dreg:$0x8]  }
0x104: {  	s17 =	rddreg [dreg:$0xb]  }
0x105: {  	[hbm:s2], [sflag:s8] =	dma.local [spmem:s17], $0x2700  }
0x106: {  	_ =	swait.ge [sflag:s19], $0x2700  }
0x107: {  	[sflag:s19] =	ssyncset.done $0x0;
	s2 =	rddreg [dreg:$0x9]  }
0x108: {  	s18 =	rddreg [dreg:$0xc];
	[sflag:s19] =	ssyncadd.s32 $0xFFFFD900  }
0x109: {  	[hbm:s2], [sflag:s8] =	dma.local @!p0 [spmem:s18], $0x100  }
0x10a: {  	s2 =	simm.s32 @!p0 $0x7  }
0x10b: {  	_ =	swait.ge @!p0 [sflag:s2], $0x100  }
0x10c: {  	s16 =	sadd.s32 $0x1, s16;
	s20 =	rddreg [dreg:$0xa]  }
0x10d: {  	p1 =	sne.s32 s16, s20  }
.Ltmp4:
0x10e: {  	_ = 	snop;
	(pc) =	sbr.rel @p1 .LBB2_1-.Ltmp4, $3  }
0x10f: {  	_ =	sdelay $0x1  }
0x110: {  	[sflag:s2] =	ssyncset.done @!p0 $0x0  }
0x111: {  	[sflag:s2] =	ssyncadd.s32 @!p0 $0xFFFFFF00  }
0x112: {  	_ =	sfence.sel $0x180000  }
0x113: {  	[bflag:$0x0] =	sbarrier.arrive $0xFFFF  }
0x114: {  	_ =	strace $0x90000047  }
0x115: {  	[bflag:$0x2] =	sbarrier.arrive $0xFFFF  }
0x116: {  	s0 =	rddreg [dreg:$0x2]  }
0x117: {  	s0 =	sadd.s32 @!p0 $0x100000, s0  }
0x118: {  	[sflag:s0] =	ssyncadd.tile.s32 @!p0 $0x1;
	_ =	shalt  }
.Lfunc_end2:
_tile_overlayer_lowered:
.L_overlay_start_2:
0x119: {  	(tag) =	ssettag $0x2  }
0x11a: {  	s0 =	rddreg [dreg:$0x0];
	s2 =	stileid.u32  }
0x11b: {  	s1 =	rddreg [dreg:$0x1];
	p0 =	sne.s32 s2, $0x0  }
0x11c: {  	s3 =	rddreg [dreg:$0x2];
	[bflag:$0x3] =	sbarrier.arrive $0xFFFF;
	s2 =	simm.s32 @!p0 $0x1C07  }
0x11d: {  	[timem:s3], [sflag:s2] =	dma.local @!p0 [hbm:s0], s1  }
0x11e: {  	s0 =	simm.s32 @!p0 $0x7  }
0x11f: {  	_ =	swait.ge @!p0 [sflag:s0], s1  }
0x120: {  	s1 =	ssub.s32 @!p0 $0x0, s1;
	[sflag:s0] =	ssyncset.done @!p0 $0x0  }
0x121: {  	[sflag:s0] =	ssyncadd.s32 @!p0 s1  }
0x122: {  	[bflag:$0x3] =	sbarrier.arrive $0xFFFF  }
0x123: {  	_ =	shalt  }

</sc_bundles>
